<compile_context>
chip_gen: v7x
topology: tpu7x:2x2x1
jax: 0.10.2.dev20260603
libtpu: 0.0.44.dev20260713+nightly
codegen_flags: <defaults>
</compile_context>

<pallas_src>
import functools

import jax
import jax.numpy as jnp
from jax import lax
from jax.experimental import pallas as pl
from jax.experimental.pallas import tpu as pltpu
from jax.experimental.pallas import tpu_sc as plsc

N_E = 8192
E_DIM = 32
B = 8192
BLK = 1024
NCHUNK = N_E // BLK
NW = 32
PERW = B // NW


def _k1_body(z_ref, et2_ref, idx_ref, loss_ref, sse_ref):
    i = pl.program_id(0)
    z = z_ref[...]
    zsq = z * z
    for h in (16, 8, 4, 2, 1):
        zsq = zsq[:, :h] + zsq[:, h:2 * h]
    zb = z.astype(jnp.bfloat16).astype(jnp.float32)
    ids0 = lax.broadcasted_iota(jnp.int32, (BLK, BLK), 1)
    vals, idxs = [], []
    for j in range(NCHUNK):
        et2 = et2_ref[:, pl.ds(j * BLK, BLK)]
        m2 = lax.dot_general(zb, et2, (((1,), (0,)), ((), ())),
                             preferred_element_type=jnp.float32)
        esq = 0.25 * jnp.sum(et2 * et2, axis=0, keepdims=True)
        d = (zsq + esq) - m2
        lm = jnp.min(d, axis=1, keepdims=True)
        cand = jnp.where(d == lm, ids0, jnp.int32(2**30))
        la = jnp.min(cand, axis=1, keepdims=True) + (j * BLK)
        vals.append(lm)
        idxs.append(la)

    def first_min(v0, i0, v1, i1):
        upd = v1 < v0
        return jnp.where(upd, v1, v0), jnp.where(upd, i1, i0)

    def comb(va, ia, vb, ib):
        aw = va.astype(jnp.bfloat16).astype(jnp.float32)
        tb = vb < aw
        return jnp.where(tb, vb, va), jnp.where(tb, ib, ia)

    qv, qi = [], []
    for q in range(4):
        v, i2 = first_min(vals[2 * q], idxs[2 * q], vals[2 * q + 1], idxs[2 * q + 1])
        qv.append(v)
        qi.append(i2)
    v0, i0 = comb(qv[0], qi[0], qv[1], qi[1])
    v1, i1 = comb(qv[2], qi[2], qv[3], qi[3])
    acc_v, acc_i = comb(v0, i0, v1, i1)
    idx_ref[...] = acc_i

    @pl.when(i == 0)
    def _():
        sse_ref[0, 0] = 0.0

    sse_ref[0, 0] += jnp.sum(acc_v)

    @pl.when(i == pl.num_programs(0) - 1)
    def _():
        loss_ref[...] = jnp.broadcast_to(
            1.25 * sse_ref[0, 0] / float(B * E_DIM), (1, 1))


_k1 = pl.pallas_call(
    _k1_body,
    grid=(B // BLK,),
    in_specs=[
        pl.BlockSpec((BLK, E_DIM), lambda i: (i, 0)),
        pl.BlockSpec((E_DIM, N_E), lambda i: (0, 0)),
    ],
    out_specs=[
        pl.BlockSpec((BLK, 1), lambda i: (i, 0)),
        pl.BlockSpec((1, 1), lambda i: (0, 0)),
    ],
    out_shape=[
        jax.ShapeDtypeStruct((B, 1), jnp.int32),
        jax.ShapeDtypeStruct((1, 1), jnp.float32),
    ],
    scratch_shapes=[pltpu.SMEM((1, 1), jnp.float32)],
)


def _k2_body(emb_hbm, idx_hbm, zeros_hbm, zq_hbm, cnt_hbm,
             idx_v, rows_v, ones_v, shared, sem):
    c = lax.axis_index("c")
    s = lax.axis_index("s")
    wid = s * 2 + c
    base = wid * PERW
    pltpu.sync_copy(idx_hbm.at[pl.ds(wid * 2, 2)], idx_v)
    for t in range(2):
        pltpu.async_copy(emb_hbm.at[idx_v.at[t]],
                         rows_v.at[pl.ds(t * 128, 128)], sem).wait()
    pltpu.sync_copy(rows_v, zq_hbm.at[pl.ds(base, PERW)])

    for t in range(2):
        for u in range(8):
            ones_v[t, pl.ds(u * 16, 16)] = jnp.ones((16,), jnp.float32)

    @pl.when(s == 0)
    def _():
        pltpu.sync_copy(zeros_hbm, shared)

    plsc.subcore_barrier()
    for t in range(2):
        pltpu.sync_copy(ones_v.at[t], shared.at[idx_v.at[t]], add=True)
    plsc.subcore_barrier()

    @pl.when(s == 0)
    def _():
        pltpu.sync_copy(shared, cnt_hbm.at[c])


@functools.cache
def _k2():
    return functools.partial(
        pl.kernel,
        out_type=[
            jax.ShapeDtypeStruct((B, E_DIM), jnp.float32),
            jax.ShapeDtypeStruct((2, N_E), jnp.float32),
        ],
        mesh=plsc.VectorSubcoreMesh(core_axis_name="c", subcore_axis_name="s"),
        compiler_params=pltpu.CompilerParams(use_tc_tiling_on_sc=False),
        scratch_types=[
            pltpu.VMEM((2, 128), jnp.int32),
            pltpu.VMEM((PERW, E_DIM), jnp.float32),
            pltpu.VMEM((2, 128), jnp.float32),
            pltpu.VMEM_SHARED((N_E,), jnp.float32),
            pltpu.SemaphoreType.DMA,
        ],
    )(_k2_body)


def _k3_body(cnt_ref, perp_ref):
    counts = cnt_ref[0:1, :] + cnt_ref[1:2, :]
    avg = counts * (1.0 / float(B))
    ent = jnp.sum(avg * jnp.log(avg + 1e-12))
    perp_ref[...] = jnp.broadcast_to(jnp.exp(-ent), (1, 1))


_k3 = pl.pallas_call(
    _k3_body,
    out_shape=jax.ShapeDtypeStruct((1, 1), jnp.float32),
)


def kernel(z, embedding):
    z_flat = z.reshape(B, E_DIM)
    e_t2 = 2.0 * embedding.T
    idx_col, loss = _k1(z_flat, e_t2)
    idx = idx_col.reshape(B)
    zq_flat, counts2 = _k2()(embedding, idx.reshape(NW * 2, 128),
                             jnp.zeros((N_E,), jnp.float32))
    perp = _k3(counts2)
    return (zq_flat.reshape(z.shape), loss.reshape(()), idx,
            perp.reshape(()))

# --- scband reference (transcript-rebuilt; emitter-appended) ---
"""Pipeline reference for scband-nsvq-78176994722627 (READ-ONLY COPY).

The authoritative reference and input builder live on the scoring server;
editing this copy changes nothing except your own understanding.
"""

import jax, jax.numpy as jnp
import numpy as np

N_E = 8192
E_DIM = 32
BETA = 0.25

def setup_inputs(seed: int = 0) -> dict:
    key = jax.random.key(seed)
    k1, k2 = jax.random.split(key)
    z = jax.random.normal(k1, (8, 1024, E_DIM), dtype=jnp.float32)
    # embedding initialized uniform(-1/n_e, 1/n_e) as in the torch module
    embedding = jax.random.uniform(k2, (N_E, E_DIM), dtype=jnp.float32,
                                   minval=-1.0 / N_E, maxval=1.0 / N_E)
    return {"z": z, "embedding": embedding}

def reference(z, embedding):
    bz = z.shape[0]
    e_dim = embedding.shape[1]
    n_e = embedding.shape[0]
    z_flattened = z.reshape(-1, e_dim)
    # squared L2 distances: |z|^2 + |e|^2 - 2 z e^T
    d = (jnp.sum(z_flattened ** 2, axis=1, keepdims=True)
         + jnp.sum(embedding ** 2, axis=1)
         - 2.0 * jnp.einsum('bd,dn->bn', z_flattened, embedding.T))
    min_encoding_indices = jnp.argmin(d, axis=1)
    z_q = jnp.take(embedding, min_encoding_indices, axis=0).reshape(z.shape)
    # legacy loss
    loss = (jnp.mean((jax.lax.stop_gradient(z_q) - z) ** 2)
            + BETA * jnp.mean((z_q - jax.lax.stop_gradient(z)) ** 2))
    # straight-through estimator
    z_q = z + jax.lax.stop_gradient(z_q - z)
    z_q = z_q.reshape(bz, -1, z_q.shape[-1])
    # perplexity via one-hot scatter-add (equivalent to encodings.scatter_ + mean)
    counts = jnp.zeros((n_e,), dtype=jnp.float32).at[min_encoding_indices].add(1.0)
    avg_probs = counts / z_flattened.shape[0]
    perplexity = jnp.exp(-jnp.sum(avg_probs * jnp.log(avg_probs + 1e-12)))
    return (z_q, loss, min_encoding_indices, perplexity)

if __name__ == "__main__":
    import jax
    _d = setup_inputs()
    print(jax.jit(kernel)(*tuple(_d.values())))

</pallas_src>

<mosaic_0001>
#map = affine_map<(d0, d1) -> (0, 0)>
#map1 = affine_map<(d0, d1) -> (0)>
module attributes {stable_mosaic.version = 14 : i64} {
  func.func @_k2_body(%arg0: i32, %arg1: i32, %arg2: memref<8192x32xf32, #tpu.memory_space<hbm>>, %arg3: memref<64x128xi32, #tpu.memory_space<hbm>>, %arg4: memref<8192xf32, #tpu.memory_space<hbm>>, %arg5: memref<8192x32xf32, #tpu.memory_space<hbm>>, %arg6: memref<2x8192xf32, #tpu.memory_space<hbm>>, %arg7: memref<2x128xi32, #tpu.memory_space<vmem>>, %arg8: memref<256x32xf32, #tpu.memory_space<vmem>>, %arg9: memref<2x128xf32, #tpu.memory_space<vmem>>, %arg10: memref<8192xf32, #tpu.memory_space<vmem_shared>>, %arg11: memref<!tpu.dma_semaphore, #tpu.memory_space<semaphore_mem>>) attributes {dimension_semantics = [#tpu.dimension_semantics<core_parallel>, #tpu.dimension_semantics<subcore_parallel>], iteration_bounds = array<i64: 2, 16>, scalar_prefetch = 0 : i64, scratch_operands = 5 : i64, tpu.core_type = #tpu.core_type<sc_vector_subcore>, window_params = [{transform_indices = #map}, {transform_indices = #map}, {transform_indices = #map1}, {transform_indices = #map}, {transform_indices = #map}]} {
    %mul3A = arith.constant 2 : i32
    %mul3A_0 = arith.muli %arg1, %mul3A : i32
    %add3A = arith.addi %mul3A_0, %arg0 : i32
    %mul3A_1 = arith.constant 256 : i32
    %mul3A_2 = arith.muli %add3A, %mul3A_1 : i32
    %mul3A_3 = arith.constant 2 : i32
    %mul3A_4 = arith.muli %add3A, %mul3A_3 : i32
    "tpu.region"() ({
      %run_scoped3A_180 = tpu.sem_alloc : memref<!tpu.dma_semaphore, #tpu.memory_space<semaphore_mem>>
      %dma_start3A_181 = arith.constant 0 : i32
      %dma_start3A_182 = tpu.memref_slice %arg3[%mul3A_4, %dma_start3A_181] : memref<64x128xi32, #tpu.memory_space<hbm>> -> memref<2x128xi32, #tpu.memory_space<hbm>>
      %dma_start3A_183 = arith.constant 0 : i32
      %dma_start3A_184 = tpu.memref_slice %arg3[%mul3A_4, %dma_start3A_183] : memref<64x128xi32, #tpu.memory_space<hbm>> -> memref<2x128xi32, #tpu.memory_space<hbm>>
      tpu.enqueue_dma source(%dma_start3A_184 : memref<2x128xi32, #tpu.memory_space<hbm>>) target(%arg7 : memref<2x128xi32, #tpu.memory_space<vmem>>) target_semaphore(%run_scoped3A_180 : memref<!tpu.dma_semaphore, #tpu.memory_space<semaphore_mem>>)
      %dma_wait3A_185 = arith.constant 0 : i32
      %dma_wait3A_186 = tpu.memref_slice %arg3[%mul3A_4, %dma_wait3A_185] : memref<64x128xi32, #tpu.memory_space<hbm>> -> memref<2x128xi32, #tpu.memory_space<hbm>>
      %dma_wait3A_187 = arith.constant 0 : i32
      %dma_wait3A_188 = tpu.memref_slice %arg3[%mul3A_4, %dma_wait3A_187] : memref<64x128xi32, #tpu.memory_space<hbm>> -> memref<2x128xi32, #tpu.memory_space<hbm>>
      tpu.wait_dma2 semaphore(%run_scoped3A_180 : memref<!tpu.dma_semaphore, #tpu.memory_space<semaphore_mem>>) src(%dma_wait3A_188 : memref<2x128xi32, #tpu.memory_space<hbm>>) dst(%arg7 : memref<2x128xi32, #tpu.memory_space<vmem>>)
      tpu.yield
    }) : () -> ()
    %dma_start3A = arith.constant 0 : i32
    %dma_start3A_5 = arith.constant 0 : i32
    %dma_start3A_6 = arith.constant 0 : i32
    %dma_start3A_7 = tpu.memref_slice %arg8[%dma_start3A_5, %dma_start3A_6] : memref<256x32xf32, #tpu.memory_space<vmem>> -> memref<128x32xf32, #tpu.memory_space<vmem>>
    %dma_start3A_8 = arith.constant 0 : i32
    %dma_start3A_9 = tpu.memref_slice %arg7[%dma_start3A, %dma_start3A_8] : memref<2x128xi32, #tpu.memory_space<vmem>> -> memref<1x128xi32, #tpu.memory_space<vmem>>
    %dma_start3A_10 = tpu.memref_squeeze %dma_start3A_9 : memref<1x128xi32, #tpu.memory_space<vmem>> -> memref<128xi32, #tpu.memory_space<vmem>>
    %dma_start3A_11 = arith.constant 0 : i32
    %dma_start3A_12 = arith.constant 0 : i32
    %dma_start3A_13 = tpu.memref_slice %arg2[%dma_start3A_11, %dma_start3A_12] : memref<8192x32xf32, #tpu.memory_space<hbm>> -> memref<8192x32xf32, #tpu.memory_space<hbm>>
    tpu.enqueue_indirect_dma source(%dma_start3A_13 : memref<8192x32xf32, #tpu.memory_space<hbm>>) target(%dma_start3A_7 : memref<128x32xf32, #tpu.memory_space<vmem>>) offsets(%dma_start3A_10 : memref<128xi32, #tpu.memory_space<vmem>>) semaphore(%arg11 : memref<!tpu.dma_semaphore, #tpu.memory_space<semaphore_mem>>)
    %dma_wait3A = arith.constant 0 : i32
    %dma_wait3A_14 = arith.constant 0 : i32
    %dma_wait3A_15 = arith.constant 0 : i32
    %dma_wait3A_16 = tpu.memref_slice %arg8[%dma_wait3A_14, %dma_wait3A_15] : memref<256x32xf32, #tpu.memory_space<vmem>> -> memref<128x32xf32, #tpu.memory_space<vmem>>
    %dma_wait3A_17 = arith.constant 0 : i32
    %dma_wait3A_18 = tpu.memref_slice %arg7[%dma_wait3A, %dma_wait3A_17] : memref<2x128xi32, #tpu.memory_space<vmem>> -> memref<1x128xi32, #tpu.memory_space<vmem>>
    %dma_wait3A_19 = tpu.memref_squeeze %dma_wait3A_18 : memref<1x128xi32, #tpu.memory_space<vmem>> -> memref<128xi32, #tpu.memory_space<vmem>>
    %dma_wait3A_20 = arith.constant 0 : i32
    %dma_wait3A_21 = arith.constant 0 : i32
    %dma_wait3A_22 = tpu.memref_slice %arg2[%dma_wait3A_20, %dma_wait3A_21] : memref<8192x32xf32, #tpu.memory_space<hbm>> -> memref<8192x32xf32, #tpu.memory_space<hbm>>
    tpu.wait_indirect_dma semaphore(%arg11 : memref<!tpu.dma_semaphore, #tpu.memory_space<semaphore_mem>>) src(%dma_wait3A_22 : memref<8192x32xf32, #tpu.memory_space<hbm>>) dst(%dma_wait3A_16 : memref<128x32xf32, #tpu.memory_space<vmem>>)
    %dma_start3A_23 = arith.constant 1 : i32
    %dma_start3A_24 = arith.constant 128 : i32
    %dma_start3A_25 = arith.constant 0 : i32
    %dma_start3A_26 = tpu.memref_slice %arg8[%dma_start3A_24, %dma_start3A_25] : memref<256x32xf32, #tpu.memory_space<vmem>> -> memref<128x32xf32, #tpu.memory_space<vmem>>
    %dma_start3A_27 = arith.constant 0 : i32
    %dma_start3A_28 = tpu.memref_slice %arg7[%dma_start3A_23, %dma_start3A_27] : memref<2x128xi32, #tpu.memory_space<vmem>> -> memref<1x128xi32, #tpu.memory_space<vmem>>
    %dma_start3A_29 = tpu.memref_squeeze %dma_start3A_28 : memref<1x128xi32, #tpu.memory_space<vmem>> -> memref<128xi32, #tpu.memory_space<vmem>>
    %dma_start3A_30 = arith.constant 0 : i32
    %dma_start3A_31 = arith.constant 0 : i32
    %dma_start3A_32 = tpu.memref_slice %arg2[%dma_start3A_30, %dma_start3A_31] : memref<8192x32xf32, #tpu.memory_space<hbm>> -> memref<8192x32xf32, #tpu.memory_space<hbm>>
    tpu.enqueue_indirect_dma source(%dma_start3A_32 : memref<8192x32xf32, #tpu.memory_space<hbm>>) target(%dma_start3A_26 : memref<128x32xf32, #tpu.memory_space<vmem>>) offsets(%dma_start3A_29 : memref<128xi32, #tpu.memory_space<vmem>>) semaphore(%arg11 : memref<!tpu.dma_semaphore, #tpu.memory_space<semaphore_mem>>)
    %dma_wait3A_33 = arith.constant 1 : i32
    %dma_wait3A_34 = arith.constant 128 : i32
    %dma_wait3A_35 = arith.constant 0 : i32
    %dma_wait3A_36 = tpu.memref_slice %arg8[%dma_wait3A_34, %dma_wait3A_35] : memref<256x32xf32, #tpu.memory_space<vmem>> -> memref<128x32xf32, #tpu.memory_space<vmem>>
    %dma_wait3A_37 = arith.constant 0 : i32
    %dma_wait3A_38 = tpu.memref_slice %arg7[%dma_wait3A_33, %dma_wait3A_37] : memref<2x128xi32, #tpu.memory_space<vmem>> -> memref<1x128xi32, #tpu.memory_space<vmem>>
    %dma_wait3A_39 = tpu.memref_squeeze %dma_wait3A_38 : memref<1x128xi32, #tpu.memory_space<vmem>> -> memref<128xi32, #tpu.memory_space<vmem>>
    %dma_wait3A_40 = arith.constant 0 : i32
    %dma_wait3A_41 = arith.constant 0 : i32
    %dma_wait3A_42 = tpu.memref_slice %arg2[%dma_wait3A_40, %dma_wait3A_41] : memref<8192x32xf32, #tpu.memory_space<hbm>> -> memref<8192x32xf32, #tpu.memory_space<hbm>>
    tpu.wait_indirect_dma semaphore(%arg11 : memref<!tpu.dma_semaphore, #tpu.memory_space<semaphore_mem>>) src(%dma_wait3A_42 : memref<8192x32xf32, #tpu.memory_space<hbm>>) dst(%dma_wait3A_36 : memref<128x32xf32, #tpu.memory_space<vmem>>)
    "tpu.region"() ({
      %run_scoped3A_180 = tpu.sem_alloc : memref<!tpu.dma_semaphore, #tpu.memory_space<semaphore_mem>>
      %dma_start3A_181 = arith.constant 0 : i32
      %dma_start3A_182 = tpu.memref_slice %arg5[%mul3A_2, %dma_start3A_181] : memref<8192x32xf32, #tpu.memory_space<hbm>> -> memref<256x32xf32, #tpu.memory_space<hbm>>
      %dma_start3A_183 = arith.constant 0 : i32
      %dma_start3A_184 = tpu.memref_slice %arg5[%mul3A_2, %dma_start3A_183] : memref<8192x32xf32, #tpu.memory_space<hbm>> -> memref<256x32xf32, #tpu.memory_space<hbm>>
      tpu.enqueue_dma source(%arg8 : memref<256x32xf32, #tpu.memory_space<vmem>>) target(%dma_start3A_184 : memref<256x32xf32, #tpu.memory_space<hbm>>) target_semaphore(%run_scoped3A_180 : memref<!tpu.dma_semaphore, #tpu.memory_space<semaphore_mem>>)
      %dma_wait3A_185 = arith.constant 0 : i32
      %dma_wait3A_186 = tpu.memref_slice %arg5[%mul3A_2, %dma_wait3A_185] : memref<8192x32xf32, #tpu.memory_space<hbm>> -> memref<256x32xf32, #tpu.memory_space<hbm>>
      %dma_wait3A_187 = arith.constant 0 : i32
      %dma_wait3A_188 = tpu.memref_slice %arg5[%mul3A_2, %dma_wait3A_187] : memref<8192x32xf32, #tpu.memory_space<hbm>> -> memref<256x32xf32, #tpu.memory_space<hbm>>
      tpu.wait_dma2 semaphore(%run_scoped3A_180 : memref<!tpu.dma_semaphore, #tpu.memory_space<semaphore_mem>>) src(%arg8 : memref<256x32xf32, #tpu.memory_space<vmem>>) dst(%dma_wait3A_188 : memref<256x32xf32, #tpu.memory_space<hbm>>)
      tpu.yield
    }) : () -> ()
    %broadcast_in_dim3A = arith.constant 1.000000e+00 : f32
    %broadcast_in_dim3A_43 = vector.broadcast %broadcast_in_dim3A : f32 to vector<16xf32>
    %swap3A = arith.constant 0 : i32
    %swap3A_44 = arith.index_cast %swap3A : i32 to index
    %swap3A_45 = arith.constant 0 : index
    %swap3A_46 = tpu.vector_load %arg9[%swap3A_44, %swap3A_45] {strides = array<i32>} : memref<2x128xf32, #tpu.memory_space<vmem>>, vector<1x16xf32>,
    %swap3A_47 = vector.shape_cast %swap3A_46 : vector<1x16xf32> to vector<16xf32>
    %swap3A_48 = vector.shape_cast %broadcast_in_dim3A_43 : vector<16xf32> to vector<1x16xf32>
    tpu.vector_store %arg9[%swap3A_44, %swap3A_45], %swap3A_48 {strides = array<i32>} : memref<2x128xf32, #tpu.memory_space<vmem>>, vector<1x16xf32>,
    %broadcast_in_dim3A_49 = arith.constant 1.000000e+00 : f32
    %broadcast_in_dim3A_50 = vector.broadcast %broadcast_in_dim3A_49 : f32 to vector<16xf32>
    %swap3A_51 = arith.constant 0 : i32
    %swap3A_52 = arith.index_cast %swap3A_51 : i32 to index
    %swap3A_53 = arith.constant 16 : index
    %swap3A_54 = tpu.vector_load %arg9[%swap3A_52, %swap3A_53] {strides = array<i32>} : memref<2x128xf32, #tpu.memory_space<vmem>>, vector<1x16xf32>,
    %swap3A_55 = vector.shape_cast %swap3A_54 : vector<1x16xf32> to vector<16xf32>
    %swap3A_56 = vector.shape_cast %broadcast_in_dim3A_50 : vector<16xf32> to vector<1x16xf32>
    tpu.vector_store %arg9[%swap3A_52, %swap3A_53], %swap3A_56 {strides = array<i32>} : memref<2x128xf32, #tpu.memory_space<vmem>>, vector<1x16xf32>,
    %broadcast_in_dim3A_57 = arith.constant 1.000000e+00 : f32
    %broadcast_in_dim3A_58 = vector.broadcast %broadcast_in_dim3A_57 : f32 to vector<16xf32>
    %swap3A_59 = arith.constant 0 : i32
    %swap3A_60 = arith.index_cast %swap3A_59 : i32 to index
    %swap3A_61 = arith.constant 32 : index
    %swap3A_62 = tpu.vector_load %arg9[%swap3A_60, %swap3A_61] {strides = array<i32>} : memref<2x128xf32, #tpu.memory_space<vmem>>, vector<1x16xf32>,
    %swap3A_63 = vector.shape_cast %swap3A_62 : vector<1x16xf32> to vector<16xf32>
    %swap3A_64 = vector.shape_cast %broadcast_in_dim3A_58 : vector<16xf32> to vector<1x16xf32>
    tpu.vector_store %arg9[%swap3A_60, %swap3A_61], %swap3A_64 {strides = array<i32>} : memref<2x128xf32, #tpu.memory_space<vmem>>, vector<1x16xf32>,
    %broadcast_in_dim3A_65 = arith.constant 1.000000e+00 : f32
    %broadcast_in_dim3A_66 = vector.broadcast %broadcast_in_dim3A_65 : f32 to vector<16xf32>
    %swap3A_67 = arith.constant 0 : i32
    %swap3A_68 = arith.index_cast %swap3A_67 : i32 to index
    %swap3A_69 = arith.constant 48 : index
    %swap3A_70 = tpu.vector_load %arg9[%swap3A_68, %swap3A_69] {strides = array<i32>} : memref<2x128xf32, #tpu.memory_space<vmem>>, vector<1x16xf32>,
    %swap3A_71 = vector.shape_cast %swap3A_70 : vector<1x16xf32> to vector<16xf32>
    %swap3A_72 = vector.shape_cast %broadcast_in_dim3A_66 : vector<16xf32> to vector<1x16xf32>
    tpu.vector_store %arg9[%swap3A_68, %swap3A_69], %swap3A_72 {strides = array<i32>} : memref<2x128xf32, #tpu.memory_space<vmem>>, vector<1x16xf32>,
    %broadcast_in_dim3A_73 = arith.constant 1.000000e+00 : f32
    %broadcast_in_dim3A_74 = vector.broadcast %broadcast_in_dim3A_73 : f32 to vector<16xf32>
    %swap3A_75 = arith.constant 0 : i32
    %swap3A_76 = arith.index_cast %swap3A_75 : i32 to index
    %swap3A_77 = arith.constant 64 : index
    %swap3A_78 = tpu.vector_load %arg9[%swap3A_76, %swap3A_77] {strides = array<i32>} : memref<2x128xf32, #tpu.memory_space<vmem>>, vector<1x16xf32>,
    %swap3A_79 = vector.shape_cast %swap3A_78 : vector<1x16xf32> to vector<16xf32>
    %swap3A_80 = vector.shape_cast %broadcast_in_dim3A_74 : vector<16xf32> to vector<1x16xf32>
    tpu.vector_store %arg9[%swap3A_76, %swap3A_77], %swap3A_80 {strides = array<i32>} : memref<2x128xf32, #tpu.memory_space<vmem>>, vector<1x16xf32>,
    %broadcast_in_dim3A_81 = arith.constant 1.000000e+00 : f32
    %broadcast_in_dim3A_82 = vector.broadcast %broadcast_in_dim3A_81 : f32 to vector<16xf32>
    %swap3A_83 = arith.constant 0 : i32
    %swap3A_84 = arith.index_cast %swap3A_83 : i32 to index
    %swap3A_85 = arith.constant 80 : index
    %swap3A_86 = tpu.vector_load %arg9[%swap3A_84, %swap3A_85] {strides = array<i32>} : memref<2x128xf32, #tpu.memory_space<vmem>>, vector<1x16xf32>,
    %swap3A_87 = vector.shape_cast %swap3A_86 : vector<1x16xf32> to vector<16xf32>
    %swap3A_88 = vector.shape_cast %broadcast_in_dim3A_82 : vector<16xf32> to vector<1x16xf32>
    tpu.vector_store %arg9[%swap3A_84, %swap3A_85], %swap3A_88 {strides = array<i32>} : memref<2x128xf32, #tpu.memory_space<vmem>>, vector<1x16xf32>,
    %broadcast_in_dim3A_89 = arith.constant 1.000000e+00 : f32
    %broadcast_in_dim3A_90 = vector.broadcast %broadcast_in_dim3A_89 : f32 to vector<16xf32>
    %swap3A_91 = arith.constant 0 : i32
    %swap3A_92 = arith.index_cast %swap3A_91 : i32 to index
    %swap3A_93 = arith.constant 96 : index
    %swap3A_94 = tpu.vector_load %arg9[%swap3A_92, %swap3A_93] {strides = array<i32>} : memref<2x128xf32, #tpu.memory_space<vmem>>, vector<1x16xf32>,
    %swap3A_95 = vector.shape_cast %swap3A_94 : vector<1x16xf32> to vector<16xf32>
    %swap3A_96 = vector.shape_cast %broadcast_in_dim3A_90 : vector<16xf32> to vector<1x16xf32>
    tpu.vector_store %arg9[%swap3A_92, %swap3A_93], %swap3A_96 {strides = array<i32>} : memref<2x128xf32, #tpu.memory_space<vmem>>, vector<1x16xf32>,
    %broadcast_in_dim3A_97 = arith.constant 1.000000e+00 : f32
    %broadcast_in_dim3A_98 = vector.broadcast %broadcast_in_dim3A_97 : f32 to vector<16xf32>
    %swap3A_99 = arith.constant 0 : i32
    %swap3A_100 = arith.index_cast %swap3A_99 : i32 to index
    %swap3A_101 = arith.constant 112 : index
    %swap3A_102 = tpu.vector_load %arg9[%swap3A_100, %swap3A_101] {strides = array<i32>} : memref<2x128xf32, #tpu.memory_space<vmem>>, vector<1x16xf32>,
    %swap3A_103 = vector.shape_cast %swap3A_102 : vector<1x16xf32> to vector<16xf32>
    %swap3A_104 = vector.shape_cast %broadcast_in_dim3A_98 : vector<16xf32> to vector<1x16xf32>
    tpu.vector_store %arg9[%swap3A_100, %swap3A_101], %swap3A_104 {strides = array<i32>} : memref<2x128xf32, #tpu.memory_space<vmem>>, vector<1x16xf32>,
    %broadcast_in_dim3A_105 = arith.constant 1.000000e+00 : f32
    %broadcast_in_dim3A_106 = vector.broadcast %broadcast_in_dim3A_105 : f32 to vector<16xf32>
    %swap3A_107 = arith.constant 1 : i32
    %swap3A_108 = arith.index_cast %swap3A_107 : i32 to index
    %swap3A_109 = arith.constant 0 : index
    %swap3A_110 = tpu.vector_load %arg9[%swap3A_108, %swap3A_109] {strides = array<i32>} : memref<2x128xf32, #tpu.memory_space<vmem>>, vector<1x16xf32>,
    %swap3A_111 = vector.shape_cast %swap3A_110 : vector<1x16xf32> to vector<16xf32>
    %swap3A_112 = vector.shape_cast %broadcast_in_dim3A_106 : vector<16xf32> to vector<1x16xf32>
    tpu.vector_store %arg9[%swap3A_108, %swap3A_109], %swap3A_112 {strides = array<i32>} : memref<2x128xf32, #tpu.memory_space<vmem>>, vector<1x16xf32>,
    %broadcast_in_dim3A_113 = arith.constant 1.000000e+00 : f32
    %broadcast_in_dim3A_114 = vector.broadcast %broadcast_in_dim3A_113 : f32 to vector<16xf32>
    %swap3A_115 = arith.constant 1 : i32
    %swap3A_116 = arith.index_cast %swap3A_115 : i32 to index
    %swap3A_117 = arith.constant 16 : index
    %swap3A_118 = tpu.vector_load %arg9[%swap3A_116, %swap3A_117] {strides = array<i32>} : memref<2x128xf32, #tpu.memory_space<vmem>>, vector<1x16xf32>,
    %swap3A_119 = vector.shape_cast %swap3A_118 : vector<1x16xf32> to vector<16xf32>
    %swap3A_120 = vector.shape_cast %broadcast_in_dim3A_114 : vector<16xf32> to vector<1x16xf32>
    tpu.vector_store %arg9[%swap3A_116, %swap3A_117], %swap3A_120 {strides = array<i32>} : memref<2x128xf32, #tpu.memory_space<vmem>>, vector<1x16xf32>,
    %broadcast_in_dim3A_121 = arith.constant 1.000000e+00 : f32
    %broadcast_in_dim3A_122 = vector.broadcast %broadcast_in_dim3A_121 : f32 to vector<16xf32>
    %swap3A_123 = arith.constant 1 : i32
    %swap3A_124 = arith.index_cast %swap3A_123 : i32 to index
    %swap3A_125 = arith.constant 32 : index
    %swap3A_126 = tpu.vector_load %arg9[%swap3A_124, %swap3A_125] {strides = array<i32>} : memref<2x128xf32, #tpu.memory_space<vmem>>, vector<1x16xf32>,
    %swap3A_127 = vector.shape_cast %swap3A_126 : vector<1x16xf32> to vector<16xf32>
    %swap3A_128 = vector.shape_cast %broadcast_in_dim3A_122 : vector<16xf32> to vector<1x16xf32>
    tpu.vector_store %arg9[%swap3A_124, %swap3A_125], %swap3A_128 {strides = array<i32>} : memref<2x128xf32, #tpu.memory_space<vmem>>, vector<1x16xf32>,
    %broadcast_in_dim3A_129 = arith.constant 1.000000e+00 : f32
    %broadcast_in_dim3A_130 = vector.broadcast %broadcast_in_dim3A_129 : f32 to vector<16xf32>
    %swap3A_131 = arith.constant 1 : i32
    %swap3A_132 = arith.index_cast %swap3A_131 : i32 to index
    %swap3A_133 = arith.constant 48 : index
    %swap3A_134 = tpu.vector_load %arg9[%swap3A_132, %swap3A_133] {strides = array<i32>} : memref<2x128xf32, #tpu.memory_space<vmem>>, vector<1x16xf32>,
    %swap3A_135 = vector.shape_cast %swap3A_134 : vector<1x16xf32> to vector<16xf32>
    %swap3A_136 = vector.shape_cast %broadcast_in_dim3A_130 : vector<16xf32> to vector<1x16xf32>
    tpu.vector_store %arg9[%swap3A_132, %swap3A_133], %swap3A_136 {strides = array<i32>} : memref<2x128xf32, #tpu.memory_space<vmem>>, vector<1x16xf32>,
    %broadcast_in_dim3A_137 = arith.constant 1.000000e+00 : f32
    %broadcast_in_dim3A_138 = vector.broadcast %broadcast_in_dim3A_137 : f32 to vector<16xf32>
    %swap3A_139 = arith.constant 1 : i32
    %swap3A_140 = arith.index_cast %swap3A_139 : i32 to index
    %swap3A_141 = arith.constant 64 : index
    %swap3A_142 = tpu.vector_load %arg9[%swap3A_140, %swap3A_141] {strides = array<i32>} : memref<2x128xf32, #tpu.memory_space<vmem>>, vector<1x16xf32>,
    %swap3A_143 = vector.shape_cast %swap3A_142 : vector<1x16xf32> to vector<16xf32>
    %swap3A_144 = vector.shape_cast %broadcast_in_dim3A_138 : vector<16xf32> to vector<1x16xf32>
    tpu.vector_store %arg9[%swap3A_140, %swap3A_141], %swap3A_144 {strides = array<i32>} : memref<2x128xf32, #tpu.memory_space<vmem>>, vector<1x16xf32>,
    %broadcast_in_dim3A_145 = arith.constant 1.000000e+00 : f32
    %broadcast_in_dim3A_146 = vector.broadcast %broadcast_in_dim3A_145 : f32 to vector<16xf32>
    %swap3A_147 = arith.constant 1 : i32
    %swap3A_148 = arith.index_cast %swap3A_147 : i32 to index
    %swap3A_149 = arith.constant 80 : index
    %swap3A_150 = tpu.vector_load %arg9[%swap3A_148, %swap3A_149] {strides = array<i32>} : memref<2x128xf32, #tpu.memory_space<vmem>>, vector<1x16xf32>,
    %swap3A_151 = vector.shape_cast %swap3A_150 : vector<1x16xf32> to vector<16xf32>
    %swap3A_152 = vector.shape_cast %broadcast_in_dim3A_146 : vector<16xf32> to vector<1x16xf32>
    tpu.vector_store %arg9[%swap3A_148, %swap3A_149], %swap3A_152 {strides = array<i32>} : memref<2x128xf32, #tpu.memory_space<vmem>>, vector<1x16xf32>,
    %broadcast_in_dim3A_153 = arith.constant 1.000000e+00 : f32
    %broadcast_in_dim3A_154 = vector.broadcast %broadcast_in_dim3A_153 : f32 to vector<16xf32>
    %swap3A_155 = arith.constant 1 : i32
    %swap3A_156 = arith.index_cast %swap3A_155 : i32 to index
    %swap3A_157 = arith.constant 96 : index
    %swap3A_158 = tpu.vector_load %arg9[%swap3A_156, %swap3A_157] {strides = array<i32>} : memref<2x128xf32, #tpu.memory_space<vmem>>, vector<1x16xf32>,
    %swap3A_159 = vector.shape_cast %swap3A_158 : vector<1x16xf32> to vector<16xf32>
    %swap3A_160 = vector.shape_cast %broadcast_in_dim3A_154 : vector<16xf32> to vector<1x16xf32>
    tpu.vector_store %arg9[%swap3A_156, %swap3A_157], %swap3A_160 {strides = array<i32>} : memref<2x128xf32, #tpu.memory_space<vmem>>, vector<1x16xf32>,
    %broadcast_in_dim3A_161 = arith.constant 1.000000e+00 : f32
    %broadcast_in_dim3A_162 = vector.broadcast %broadcast_in_dim3A_161 : f32 to vector<16xf32>
    %swap3A_163 = arith.constant 1 : i32
    %swap3A_164 = arith.index_cast %swap3A_163 : i32 to index
    %swap3A_165 = arith.constant 112 : index
    %swap3A_166 = tpu.vector_load %arg9[%swap3A_164, %swap3A_165] {strides = array<i32>} : memref<2x128xf32, #tpu.memory_space<vmem>>, vector<1x16xf32>,
    %swap3A_167 = vector.shape_cast %swap3A_166 : vector<1x16xf32> to vector<16xf32>
    %swap3A_168 = vector.shape_cast %broadcast_in_dim3A_162 : vector<16xf32> to vector<1x16xf32>
    tpu.vector_store %arg9[%swap3A_164, %swap3A_165], %swap3A_168 {strides = array<i32>} : memref<2x128xf32, #tpu.memory_space<vmem>>, vector<1x16xf32>,
    %eq3A = arith.constant 0 : i32
    %eq3A_169 = arith.cmpi eq, %arg1, %eq3A : i32
    %convert_element_type3A = arith.extui %eq3A_169 : i1 to i32
    %cond3A = arith.constant 0 : i32
    %cond3A_170 = arith.cmpi ne, %convert_element_type3A, %cond3A : i32
    scf.if %cond3A_170 {
      "tpu.region"() ({
        %run_scoped3A_180 = tpu.sem_alloc : memref<!tpu.dma_semaphore, #tpu.memory_space<semaphore_mem>>
        tpu.enqueue_dma source(%arg4 : memref<8192xf32, #tpu.memory_space<hbm>>) target(%arg10 : memref<8192xf32, #tpu.memory_space<vmem_shared>>) target_semaphore(%run_scoped3A_180 : memref<!tpu.dma_semaphore, #tpu.memory_space<semaphore_mem>>)
        tpu.wait_dma2 semaphore(%run_scoped3A_180 : memref<!tpu.dma_semaphore, #tpu.memory_space<semaphore_mem>>) src(%arg4 : memref<8192xf32, #tpu.memory_space<hbm>>) dst(%arg10 : memref<8192xf32, #tpu.memory_space<vmem_shared>>)
        tpu.yield
      }) : () -> ()
    } else {
    }
    %barrier3A = arith.constant 0 : index
    tpu.barrier barrier_id(%barrier3A)
    %run_scoped3A = arith.constant 0 : i32
    %run_scoped3A_171 = arith.constant 0 : i32
    "tpu.region"() ({
      %run_scoped3A_180 = tpu.sem_alloc : memref<!tpu.dma_semaphore, #tpu.memory_space<semaphore_mem>>
      %dma_start3A_181 = arith.constant 0 : i32
      %dma_start3A_182 = tpu.memref_slice %arg9[%run_scoped3A, %dma_start3A_181] : memref<2x128xf32, #tpu.memory_space<vmem>> -> memref<1x128xf32, #tpu.memory_space<vmem>>
      %dma_start3A_183 = tpu.memref_squeeze %dma_start3A_182 : memref<1x128xf32, #tpu.memory_space<vmem>> -> memref<128xf32, #tpu.memory_space<vmem>>
      %dma_start3A_184 = arith.constant 0 : i32
      %dma_start3A_185 = tpu.memref_slice %arg7[%run_scoped3A_171, %dma_start3A_184] : memref<2x128xi32, #tpu.memory_space<vmem>> -> memref<1x128xi32, #tpu.memory_space<vmem>>
      %dma_start3A_186 = tpu.memref_squeeze %dma_start3A_185 : memref<1x128xi32, #tpu.memory_space<vmem>> -> memref<128xi32, #tpu.memory_space<vmem>>
      %dma_start3A_187 = arith.constant 0 : i32
      %dma_start3A_188 = tpu.memref_slice %arg10[%dma_start3A_187] : memref<8192xf32, #tpu.memory_space<vmem_shared>> -> memref<8192xf32, #tpu.memory_space<vmem_shared>>
      tpu.enqueue_indirect_dma source(%dma_start3A_183 : memref<128xf32, #tpu.memory_space<vmem>>) target(%dma_start3A_188 : memref<8192xf32, #tpu.memory_space<vmem_shared>>) offsets(%dma_start3A_186 : memref<128xi32, #tpu.memory_space<vmem>>) semaphore(%run_scoped3A_180 : memref<!tpu.dma_semaphore, #tpu.memory_space<semaphore_mem>>) {add = true}
      %dma_wait3A_189 = arith.constant 0 : i32
      %dma_wait3A_190 = tpu.memref_slice %arg9[%run_scoped3A, %dma_wait3A_189] : memref<2x128xf32, #tpu.memory_space<vmem>> -> memref<1x128xf32, #tpu.memory_space<vmem>>
      %dma_wait3A_191 = tpu.memref_squeeze %dma_wait3A_190 : memref<1x128xf32, #tpu.memory_space<vmem>> -> memref<128xf32, #tpu.memory_space<vmem>>
      %dma_wait3A_192 = arith.constant 0 : i32
      %dma_wait3A_193 = tpu.memref_slice %arg7[%run_scoped3A_171, %dma_wait3A_192] : memref<2x128xi32, #tpu.memory_space<vmem>> -> memref<1x128xi32, #tpu.memory_space<vmem>>
      %dma_wait3A_194 = tpu.memref_squeeze %dma_wait3A_193 : memref<1x128xi32, #tpu.memory_space<vmem>> -> memref<128xi32, #tpu.memory_space<vmem>>
      %dma_wait3A_195 = arith.constant 0 : i32
      %dma_wait3A_196 = tpu.memref_slice %arg10[%dma_wait3A_195] : memref<8192xf32, #tpu.memory_space<vmem_shared>> -> memref<8192xf32, #tpu.memory_space<vmem_shared>>
      tpu.wait_indirect_dma semaphore(%run_scoped3A_180 : memref<!tpu.dma_semaphore, #tpu.memory_space<semaphore_mem>>) src(%dma_wait3A_191 : memref<128xf32, #tpu.memory_space<vmem>>) dst(%dma_wait3A_196 : memref<8192xf32, #tpu.memory_space<vmem_shared>>)
      tpu.yield
    }) : () -> ()
    %run_scoped3A_172 = arith.constant 1 : i32
    %run_scoped3A_173 = arith.constant 1 : i32
    "tpu.region"() ({
      %run_scoped3A_180 = tpu.sem_alloc : memref<!tpu.dma_semaphore, #tpu.memory_space<semaphore_mem>>
      %dma_start3A_181 = arith.constant 0 : i32
      %dma_start3A_182 = tpu.memref_slice %arg9[%run_scoped3A_172, %dma_start3A_181] : memref<2x128xf32, #tpu.memory_space<vmem>> -> memref<1x128xf32, #tpu.memory_space<vmem>>
      %dma_start3A_183 = tpu.memref_squeeze %dma_start3A_182 : memref<1x128xf32, #tpu.memory_space<vmem>> -> memref<128xf32, #tpu.memory_space<vmem>>
      %dma_start3A_184 = arith.constant 0 : i32
      %dma_start3A_185 = tpu.memref_slice %arg7[%run_scoped3A_173, %dma_start3A_184] : memref<2x128xi32, #tpu.memory_space<vmem>> -> memref<1x128xi32, #tpu.memory_space<vmem>>
      %dma_start3A_186 = tpu.memref_squeeze %dma_start3A_185 : memref<1x128xi32, #tpu.memory_space<vmem>> -> memref<128xi32, #tpu.memory_space<vmem>>
      %dma_start3A_187 = arith.constant 0 : i32
      %dma_start3A_188 = tpu.memref_slice %arg10[%dma_start3A_187] : memref<8192xf32, #tpu.memory_space<vmem_shared>> -> memref<8192xf32, #tpu.memory_space<vmem_shared>>
      tpu.enqueue_indirect_dma source(%dma_start3A_183 : memref<128xf32, #tpu.memory_space<vmem>>) target(%dma_start3A_188 : memref<8192xf32, #tpu.memory_space<vmem_shared>>) offsets(%dma_start3A_186 : memref<128xi32, #tpu.memory_space<vmem>>) semaphore(%run_scoped3A_180 : memref<!tpu.dma_semaphore, #tpu.memory_space<semaphore_mem>>) {add = true}
      %dma_wait3A_189 = arith.constant 0 : i32
      %dma_wait3A_190 = tpu.memref_slice %arg9[%run_scoped3A_172, %dma_wait3A_189] : memref<2x128xf32, #tpu.memory_space<vmem>> -> memref<1x128xf32, #tpu.memory_space<vmem>>
      %dma_wait3A_191 = tpu.memref_squeeze %dma_wait3A_190 : memref<1x128xf32, #tpu.memory_space<vmem>> -> memref<128xf32, #tpu.memory_space<vmem>>
      %dma_wait3A_192 = arith.constant 0 : i32
      %dma_wait3A_193 = tpu.memref_slice %arg7[%run_scoped3A_173, %dma_wait3A_192] : memref<2x128xi32, #tpu.memory_space<vmem>> -> memref<1x128xi32, #tpu.memory_space<vmem>>
      %dma_wait3A_194 = tpu.memref_squeeze %dma_wait3A_193 : memref<1x128xi32, #tpu.memory_space<vmem>> -> memref<128xi32, #tpu.memory_space<vmem>>
      %dma_wait3A_195 = arith.constant 0 : i32
      %dma_wait3A_196 = tpu.memref_slice %arg10[%dma_wait3A_195] : memref<8192xf32, #tpu.memory_space<vmem_shared>> -> memref<8192xf32, #tpu.memory_space<vmem_shared>>
      tpu.wait_indirect_dma semaphore(%run_scoped3A_180 : memref<!tpu.dma_semaphore, #tpu.memory_space<semaphore_mem>>) src(%dma_wait3A_191 : memref<128xf32, #tpu.memory_space<vmem>>) dst(%dma_wait3A_196 : memref<8192xf32, #tpu.memory_space<vmem_shared>>)
      tpu.yield
    }) : () -> ()
    %barrier3A_174 = arith.constant 0 : index
    tpu.barrier barrier_id(%barrier3A_174)
    %eq3A_175 = arith.constant 0 : i32
    %eq3A_176 = arith.cmpi eq, %arg1, %eq3A_175 : i32
    %convert_element_type3A_177 = arith.extui %eq3A_176 : i1 to i32
    %cond3A_178 = arith.constant 0 : i32
    %cond3A_179 = arith.cmpi ne, %convert_element_type3A_177, %cond3A_178 : i32
    scf.if %cond3A_179 {
      "tpu.region"() ({
        %run_scoped3A_180 = tpu.sem_alloc : memref<!tpu.dma_semaphore, #tpu.memory_space<semaphore_mem>>
        %dma_start3A_181 = arith.constant 0 : i32
        %dma_start3A_182 = tpu.memref_slice %arg6[%arg0, %dma_start3A_181] : memref<2x8192xf32, #tpu.memory_space<hbm>> -> memref<1x8192xf32, #tpu.memory_space<hbm>>
        %dma_start3A_183 = tpu.memref_squeeze %dma_start3A_182 : memref<1x8192xf32, #tpu.memory_space<hbm>> -> memref<8192xf32, #tpu.memory_space<hbm>>
        tpu.enqueue_dma source(%arg10 : memref<8192xf32, #tpu.memory_space<vmem_shared>>) target(%dma_start3A_183 : memref<8192xf32, #tpu.memory_space<hbm>>) target_semaphore(%run_scoped3A_180 : memref<!tpu.dma_semaphore, #tpu.memory_space<semaphore_mem>>)
        %dma_wait3A_184 = arith.constant 0 : i32
        %dma_wait3A_185 = tpu.memref_slice %arg6[%arg0, %dma_wait3A_184] : memref<2x8192xf32, #tpu.memory_space<hbm>> -> memref<1x8192xf32, #tpu.memory_space<hbm>>
        %dma_wait3A_186 = tpu.memref_squeeze %dma_wait3A_185 : memref<1x8192xf32, #tpu.memory_space<hbm>> -> memref<8192xf32, #tpu.memory_space<hbm>>
        tpu.wait_dma2 semaphore(%run_scoped3A_180 : memref<!tpu.dma_semaphore, #tpu.memory_space<semaphore_mem>>) src(%arg10 : memref<8192xf32, #tpu.memory_space<vmem_shared>>) dst(%dma_wait3A_186 : memref<8192xf32, #tpu.memory_space<hbm>>)
        tpu.yield
      }) : () -> ()
    } else {
    }
    return
  }
}

module attributes {stable_mosaic.version = 14 : i64} {
  func.func @_k1_body(%arg0: i32, %arg1: memref<1024x32xf32, #tpu.memory_space<vmem>>, %arg2: memref<32x8192xf32, #tpu.memory_space<vmem>>, %arg3: memref<1024x1xi32, #tpu.memory_space<vmem>>, %arg4: memref<1x1xf32, #tpu.memory_space<vmem>>, %arg5: memref<1x1xf32, #tpu.memory_space<smem>>) attributes {dimension_semantics = [#tpu.dimension_semantics<arbitrary>], iteration_bounds = array<i64: 8>, scalar_prefetch = 0 : i64, scratch_operands = 1 : i64, tpu.core_type = #tpu.core_type<tc>, window_params = [{transform_indices = @transform_0, window_bounds = array<i64: 1024, 32>}, {pipeline_mode = #tpu.pipeline_mode<synchronous>, transform_indices = @transform_1, window_bounds = array<i64: 32, 8192>}, {transform_indices = @transform_2, window_bounds = array<i64: 1024, 1>}, {pipeline_mode = #tpu.pipeline_mode<synchronous>, transform_indices = @transform_3, window_bounds = array<i64: 1, 1>}]} {
    %get3A = arith.constant 0 : index
    %get3A_0 = arith.constant 0 : index
    %get3A_1 = vector.load %arg1[%get3A, %get3A_0] : memref<1024x32xf32, #tpu.memory_space<vmem>>, vector<1024x32xf32>
    %mul3A = arith.mulf %get3A_1, %get3A_1 : vector<1024x32xf32>
    %slice3A = vector.extract_strided_slice %mul3A {offsets = [0, 0], sizes = [1024, 16], strides = [1, 1]} : vector<1024x32xf32> to vector<1024x16xf32>
    %slice3A_2 = vector.extract_strided_slice %mul3A {offsets = [0, 16], sizes = [1024, 16], strides = [1, 1]} : vector<1024x32xf32> to vector<1024x16xf32>
    %add3A = arith.addf %slice3A, %slice3A_2 : vector<1024x16xf32>
    %slice3A_3 = vector.extract_strided_slice %add3A {offsets = [0, 0], sizes = [1024, 8], strides = [1, 1]} : vector<1024x16xf32> to vector<1024x8xf32>
    %slice3A_4 = vector.extract_strided_slice %add3A {offsets = [0, 8], sizes = [1024, 8], strides = [1, 1]} : vector<1024x16xf32> to vector<1024x8xf32>
    %add3A_5 = arith.addf %slice3A_3, %slice3A_4 : vector<1024x8xf32>
    %slice3A_6 = vector.extract_strided_slice %add3A_5 {offsets = [0, 0], sizes = [1024, 4], strides = [1, 1]} : vector<1024x8xf32> to vector<1024x4xf32>
    %slice3A_7 = vector.extract_strided_slice %add3A_5 {offsets = [0, 4], sizes = [1024, 4], strides = [1, 1]} : vector<1024x8xf32> to vector<1024x4xf32>
    %add3A_8 = arith.addf %slice3A_6, %slice3A_7 : vector<1024x4xf32>
    %slice3A_9 = vector.extract_strided_slice %add3A_8 {offsets = [0, 0], sizes = [1024, 2], strides = [1, 1]} : vector<1024x4xf32> to vector<1024x2xf32>
    %slice3A_10 = vector.extract_strided_slice %add3A_8 {offsets = [0, 2], sizes = [1024, 2], strides = [1, 1]} : vector<1024x4xf32> to vector<1024x2xf32>
    %add3A_11 = arith.addf %slice3A_9, %slice3A_10 : vector<1024x2xf32>
    %slice3A_12 = vector.extract_strided_slice %add3A_11 {offsets = [0, 0], sizes = [1024, 1], strides = [1, 1]} : vector<1024x2xf32> to vector<1024x1xf32>
    %slice3A_13 = vector.extract_strided_slice %add3A_11 {offsets = [0, 1], sizes = [1024, 1], strides = [1, 1]} : vector<1024x2xf32> to vector<1024x1xf32>
    %add3A_14 = arith.addf %slice3A_12, %slice3A_13 : vector<1024x1xf32>
    %convert_element_type3A = arith.truncf %get3A_1 : vector<1024x32xf32> to vector<1024x32xbf16>
    %convert_element_type3A_15 = arith.extf %convert_element_type3A : vector<1024x32xbf16> to vector<1024x32xf32>
    %iota3A = tpu.iota {dimensions = array<i32: 1>} : vector<1024x1024xi32>
    %get3A_16 = arith.constant 0 : index
    %get3A_17 = arith.constant 0 : index
    %get3A_18 = vector.load %arg2[%get3A_16, %get3A_17] : memref<32x8192xf32, #tpu.memory_space<vmem>>, vector<32x1024xf32>
    %dot_general3A = arith.constant dense<0.000000e+00> : vector<1024x1024xf32>
    %dot_general3A_19 = tpu.matmul %convert_element_type3A_15, %get3A_18, %dot_general3A {dimension_numbers = #tpu.dot_dimension_numbers<[1], [0], [0], [1], [0, 0, 1, 1], [], []>, transpose_lhs_hint = false} : vector<1024x32xf32>, vector<32x1024xf32>, vector<1024x1024xf32> -> vector<1024x1024xf32>
    %mul3A_20 = arith.mulf %get3A_18, %get3A_18 : vector<32x1024xf32>
    %reduce_sum3A = arith.constant dense<0.000000e+00> : vector<1024xf32>
    %reduce_sum3A_21 = vector.multi_reduction <add>, %mul3A_20, %reduce_sum3A [0] : vector<32x1024xf32> to vector<1024xf32>
    %broadcast_in_dim3A = vector.shape_cast %reduce_sum3A_21 : vector<1024xf32> to vector<1x1024xf32>
    %mul3A_22 = arith.constant 2.500000e-01 : f32
    %mul3A_23 = vector.broadcast %mul3A_22 : f32 to vector<1x1024xf32>
    %mul3A_24 = arith.mulf %mul3A_23, %broadcast_in_dim3A : vector<1x1024xf32>
    %add3A_25 = vector.broadcast %add3A_14 : vector<1024x1xf32> to vector<1024x1024xf32>
    %add3A_26 = vector.broadcast %mul3A_24 : vector<1x1024xf32> to vector<1024x1024xf32>
    %add3A_27 = arith.addf %add3A_25, %add3A_26 : vector<1024x1024xf32>
    %sub3A = arith.subf %add3A_27, %dot_general3A_19 : vector<1024x1024xf32>
    %reduce_min3A = arith.constant dense<0x7F800000> : vector<1024xf32>
    %reduce_min3A_28 = vector.multi_reduction <minimumf>, %sub3A, %reduce_min3A [1] : vector<1024x1024xf32> to vector<1024xf32>
    %broadcast_in_dim3A_29 = vector.shape_cast %reduce_min3A_28 : vector<1024xf32> to vector<1024x1xf32>
    %eq3A = vector.broadcast %broadcast_in_dim3A_29 : vector<1024x1xf32> to vector<1024x1024xf32>
    %eq3A_30 = arith.cmpf oeq, %sub3A, %eq3A : vector<1024x1024xf32>
    %jit3A = arith.constant 1073741824 : i32
    %broadcast_in_dim3A_31 = vector.broadcast %jit3A : i32 to vector<1024x1024xi32>
    %select_n3A = arith.select %eq3A_30, %iota3A, %broadcast_in_dim3A_31 : vector<1024x1024xi1>, vector<1024x1024xi32>
    %reduce_min3A_32 = arith.constant dense<2147483647> : vector<1024xi32>
    %reduce_min3A_33 = vector.multi_reduction <minsi>, %select_n3A, %reduce_min3A_32 [1] : vector<1024x1024xi32> to vector<1024xi32>
    %broadcast_in_dim3A_34 = vector.shape_cast %reduce_min3A_33 : vector<1024xi32> to vector<1024x1xi32>
    %add3A_35 = arith.constant 0 : i32
    %add3A_36 = vector.broadcast %add3A_35 : i32 to vector<1024x1xi32>
    %add3A_37 = arith.addi %broadcast_in_dim3A_34, %add3A_36 : vector<1024x1xi32>
    %get3A_38 = arith.constant 0 : index
    %get3A_39 = arith.constant 1024 : index
    %get3A_40 = vector.load %arg2[%get3A_38, %get3A_39] : memref<32x8192xf32, #tpu.memory_space<vmem>>, vector<32x1024xf32>
    %dot_general3A_41 = arith.constant dense<0.000000e+00> : vector<1024x1024xf32>
    %dot_general3A_42 = tpu.matmul %convert_element_type3A_15, %get3A_40, %dot_general3A_41 {dimension_numbers = #tpu.dot_dimension_numbers<[1], [0], [0], [1], [0, 0, 1, 1], [], []>, transpose_lhs_hint = false} : vector<1024x32xf32>, vector<32x1024xf32>, vector<1024x1024xf32> -> vector<1024x1024xf32>
    %mul3A_43 = arith.mulf %get3A_40, %get3A_40 : vector<32x1024xf32>
    %reduce_sum3A_44 = arith.constant dense<0.000000e+00> : vector<1024xf32>
    %reduce_sum3A_45 = vector.multi_reduction <add>, %mul3A_43, %reduce_sum3A_44 [0] : vector<32x1024xf32> to vector<1024xf32>
    %broadcast_in_dim3A_46 = vector.shape_cast %reduce_sum3A_45 : vector<1024xf32> to vector<1x1024xf32>
    %mul3A_47 = arith.constant 2.500000e-01 : f32
    %mul3A_48 = vector.broadcast %mul3A_47 : f32 to vector<1x1024xf32>
    %mul3A_49 = arith.mulf %mul3A_48, %broadcast_in_dim3A_46 : vector<1x1024xf32>
    %add3A_50 = vector.broadcast %add3A_14 : vector<1024x1xf32> to vector<1024x1024xf32>
    %add3A_51 = vector.broadcast %mul3A_49 : vector<1x1024xf32> to vector<1024x1024xf32>
    %add3A_52 = arith.addf %add3A_50, %add3A_51 : vector<1024x1024xf32>
    %sub3A_53 = arith.subf %add3A_52, %dot_general3A_42 : vector<1024x1024xf32>
    %reduce_min3A_54 = arith.constant dense<0x7F800000> : vector<1024xf32>
    %reduce_min3A_55 = vector.multi_reduction <minimumf>, %sub3A_53, %reduce_min3A_54 [1] : vector<1024x1024xf32> to vector<1024xf32>
    %broadcast_in_dim3A_56 = vector.shape_cast %reduce_min3A_55 : vector<1024xf32> to vector<1024x1xf32>
    %eq3A_57 = vector.broadcast %broadcast_in_dim3A_56 : vector<1024x1xf32> to vector<1024x1024xf32>
    %eq3A_58 = arith.cmpf oeq, %sub3A_53, %eq3A_57 : vector<1024x1024xf32>
    %jit3A_59 = arith.constant 1073741824 : i32
    %broadcast_in_dim3A_60 = vector.broadcast %jit3A_59 : i32 to vector<1024x1024xi32>
    %select_n3A_61 = arith.select %eq3A_58, %iota3A, %broadcast_in_dim3A_60 : vector<1024x1024xi1>, vector<1024x1024xi32>
    %reduce_min3A_62 = arith.constant dense<2147483647> : vector<1024xi32>
    %reduce_min3A_63 = vector.multi_reduction <minsi>, %select_n3A_61, %reduce_min3A_62 [1] : vector<1024x1024xi32> to vector<1024xi32>
    %broadcast_in_dim3A_64 = vector.shape_cast %reduce_min3A_63 : vector<1024xi32> to vector<1024x1xi32>
    %add3A_65 = arith.constant 1024 : i32
    %add3A_66 = vector.broadcast %add3A_65 : i32 to vector<1024x1xi32>
    %add3A_67 = arith.addi %broadcast_in_dim3A_64, %add3A_66 : vector<1024x1xi32>
    %get3A_68 = arith.constant 0 : index
    %get3A_69 = arith.constant 2048 : index
    %get3A_70 = vector.load %arg2[%get3A_68, %get3A_69] : memref<32x8192xf32, #tpu.memory_space<vmem>>, vector<32x1024xf32>
    %dot_general3A_71 = arith.constant dense<0.000000e+00> : vector<1024x1024xf32>
    %dot_general3A_72 = tpu.matmul %convert_element_type3A_15, %get3A_70, %dot_general3A_71 {dimension_numbers = #tpu.dot_dimension_numbers<[1], [0], [0], [1], [0, 0, 1, 1], [], []>, transpose_lhs_hint = false} : vector<1024x32xf32>, vector<32x1024xf32>, vector<1024x1024xf32> -> vector<1024x1024xf32>
    %mul3A_73 = arith.mulf %get3A_70, %get3A_70 : vector<32x1024xf32>
    %reduce_sum3A_74 = arith.constant dense<0.000000e+00> : vector<1024xf32>
    %reduce_sum3A_75 = vector.multi_reduction <add>, %mul3A_73, %reduce_sum3A_74 [0] : vector<32x1024xf32> to vector<1024xf32>
    %broadcast_in_dim3A_76 = vector.shape_cast %reduce_sum3A_75 : vector<1024xf32> to vector<1x1024xf32>
    %mul3A_77 = arith.constant 2.500000e-01 : f32
    %mul3A_78 = vector.broadcast %mul3A_77 : f32 to vector<1x1024xf32>
    %mul3A_79 = arith.mulf %mul3A_78, %broadcast_in_dim3A_76 : vector<1x1024xf32>
    %add3A_80 = vector.broadcast %add3A_14 : vector<1024x1xf32> to vector<1024x1024xf32>
    %add3A_81 = vector.broadcast %mul3A_79 : vector<1x1024xf32> to vector<1024x1024xf32>
    %add3A_82 = arith.addf %add3A_80, %add3A_81 : vector<1024x1024xf32>
    %sub3A_83 = arith.subf %add3A_82, %dot_general3A_72 : vector<1024x1024xf32>
    %reduce_min3A_84 = arith.constant dense<0x7F800000> : vector<1024xf32>
    %reduce_min3A_85 = vector.multi_reduction <minimumf>, %sub3A_83, %reduce_min3A_84 [1] : vector<1024x1024xf32> to vector<1024xf32>
    %broadcast_in_dim3A_86 = vector.shape_cast %reduce_min3A_85 : vector<1024xf32> to vector<1024x1xf32>
    %eq3A_87 = vector.broadcast %broadcast_in_dim3A_86 : vector<1024x1xf32> to vector<1024x1024xf32>
    %eq3A_88 = arith.cmpf oeq, %sub3A_83, %eq3A_87 : vector<1024x1024xf32>
    %jit3A_89 = arith.constant 1073741824 : i32
    %broadcast_in_dim3A_90 = vector.broadcast %jit3A_89 : i32 to vector<1024x1024xi32>
    %select_n3A_91 = arith.select %eq3A_88, %iota3A, %broadcast_in_dim3A_90 : vector<1024x1024xi1>, vector<1024x1024xi32>
    %reduce_min3A_92 = arith.constant dense<2147483647> : vector<1024xi32>
    %reduce_min3A_93 = vector.multi_reduction <minsi>, %select_n3A_91, %reduce_min3A_92 [1] : vector<1024x1024xi32> to vector<1024xi32>
    %broadcast_in_dim3A_94 = vector.shape_cast %reduce_min3A_93 : vector<1024xi32> to vector<1024x1xi32>
    %add3A_95 = arith.constant 2048 : i32
    %add3A_96 = vector.broadcast %add3A_95 : i32 to vector<1024x1xi32>
    %add3A_97 = arith.addi %broadcast_in_dim3A_94, %add3A_96 : vector<1024x1xi32>
    %get3A_98 = arith.constant 0 : index
    %get3A_99 = arith.constant 3072 : index
    %get3A_100 = vector.load %arg2[%get3A_98, %get3A_99] : memref<32x8192xf32, #tpu.memory_space<vmem>>, vector<32x1024xf32>
    %dot_general3A_101 = arith.constant dense<0.000000e+00> : vector<1024x1024xf32>
    %dot_general3A_102 = tpu.matmul %convert_element_type3A_15, %get3A_100, %dot_general3A_101 {dimension_numbers = #tpu.dot_dimension_numbers<[1], [0], [0], [1], [0, 0, 1, 1], [], []>, transpose_lhs_hint = false} : vector<1024x32xf32>, vector<32x1024xf32>, vector<1024x1024xf32> -> vector<1024x1024xf32>
    %mul3A_103 = arith.mulf %get3A_100, %get3A_100 : vector<32x1024xf32>
    %reduce_sum3A_104 = arith.constant dense<0.000000e+00> : vector<1024xf32>
    %reduce_sum3A_105 = vector.multi_reduction <add>, %mul3A_103, %reduce_sum3A_104 [0] : vector<32x1024xf32> to vector<1024xf32>
    %broadcast_in_dim3A_106 = vector.shape_cast %reduce_sum3A_105 : vector<1024xf32> to vector<1x1024xf32>
    %mul3A_107 = arith.constant 2.500000e-01 : f32
    %mul3A_108 = vector.broadcast %mul3A_107 : f32 to vector<1x1024xf32>
    %mul3A_109 = arith.mulf %mul3A_108, %broadcast_in_dim3A_106 : vector<1x1024xf32>
    %add3A_110 = vector.broadcast %add3A_14 : vector<1024x1xf32> to vector<1024x1024xf32>
    %add3A_111 = vector.broadcast %mul3A_109 : vector<1x1024xf32> to vector<1024x1024xf32>
    %add3A_112 = arith.addf %add3A_110, %add3A_111 : vector<1024x1024xf32>
    %sub3A_113 = arith.subf %add3A_112, %dot_general3A_102 : vector<1024x1024xf32>
    %reduce_min3A_114 = arith.constant dense<0x7F800000> : vector<1024xf32>
    %reduce_min3A_115 = vector.multi_reduction <minimumf>, %sub3A_113, %reduce_min3A_114 [1] : vector<1024x1024xf32> to vector<1024xf32>
    %broadcast_in_dim3A_116 = vector.shape_cast %reduce_min3A_115 : vector<1024xf32> to vector<1024x1xf32>
    %eq3A_117 = vector.broadcast %broadcast_in_dim3A_116 : vector<1024x1xf32> to vector<1024x1024xf32>
    %eq3A_118 = arith.cmpf oeq, %sub3A_113, %eq3A_117 : vector<1024x1024xf32>
    %jit3A_119 = arith.constant 1073741824 : i32
    %broadcast_in_dim3A_120 = vector.broadcast %jit3A_119 : i32 to vector<1024x1024xi32>
    %select_n3A_121 = arith.select %eq3A_118, %iota3A, %broadcast_in_dim3A_120 : vector<1024x1024xi1>, vector<1024x1024xi32>
    %reduce_min3A_122 = arith.constant dense<2147483647> : vector<1024xi32>
    %reduce_min3A_123 = vector.multi_reduction <minsi>, %select_n3A_121, %reduce_min3A_122 [1] : vector<1024x1024xi32> to vector<1024xi32>
    %broadcast_in_dim3A_124 = vector.shape_cast %reduce_min3A_123 : vector<1024xi32> to vector<1024x1xi32>
    %add3A_125 = arith.constant 3072 : i32
    %add3A_126 = vector.broadcast %add3A_125 : i32 to vector<1024x1xi32>
    %add3A_127 = arith.addi %broadcast_in_dim3A_124, %add3A_126 : vector<1024x1xi32>
    %get3A_128 = arith.constant 0 : index
    %get3A_129 = arith.constant 4096 : index
    %get3A_130 = vector.load %arg2[%get3A_128, %get3A_129] : memref<32x8192xf32, #tpu.memory_space<vmem>>, vector<32x1024xf32>
    %dot_general3A_131 = arith.constant dense<0.000000e+00> : vector<1024x1024xf32>
    %dot_general3A_132 = tpu.matmul %convert_element_type3A_15, %get3A_130, %dot_general3A_131 {dimension_numbers = #tpu.dot_dimension_numbers<[1], [0], [0], [1], [0, 0, 1, 1], [], []>, transpose_lhs_hint = false} : vector<1024x32xf32>, vector<32x1024xf32>, vector<1024x1024xf32> -> vector<1024x1024xf32>
    %mul3A_133 = arith.mulf %get3A_130, %get3A_130 : vector<32x1024xf32>
    %reduce_sum3A_134 = arith.constant dense<0.000000e+00> : vector<1024xf32>
    %reduce_sum3A_135 = vector.multi_reduction <add>, %mul3A_133, %reduce_sum3A_134 [0] : vector<32x1024xf32> to vector<1024xf32>
    %broadcast_in_dim3A_136 = vector.shape_cast %reduce_sum3A_135 : vector<1024xf32> to vector<1x1024xf32>
    %mul3A_137 = arith.constant 2.500000e-01 : f32
    %mul3A_138 = vector.broadcast %mul3A_137 : f32 to vector<1x1024xf32>
    %mul3A_139 = arith.mulf %mul3A_138, %broadcast_in_dim3A_136 : vector<1x1024xf32>
    %add3A_140 = vector.broadcast %add3A_14 : vector<1024x1xf32> to vector<1024x1024xf32>
    %add3A_141 = vector.broadcast %mul3A_139 : vector<1x1024xf32> to vector<1024x1024xf32>
    %add3A_142 = arith.addf %add3A_140, %add3A_141 : vector<1024x1024xf32>
    %sub3A_143 = arith.subf %add3A_142, %dot_general3A_132 : vector<1024x1024xf32>
    %reduce_min3A_144 = arith.constant dense<0x7F800000> : vector<1024xf32>
    %reduce_min3A_145 = vector.multi_reduction <minimumf>, %sub3A_143, %reduce_min3A_144 [1] : vector<1024x1024xf32> to vector<1024xf32>
    %broadcast_in_dim3A_146 = vector.shape_cast %reduce_min3A_145 : vector<1024xf32> to vector<1024x1xf32>
    %eq3A_147 = vector.broadcast %broadcast_in_dim3A_146 : vector<1024x1xf32> to vector<1024x1024xf32>
    %eq3A_148 = arith.cmpf oeq, %sub3A_143, %eq3A_147 : vector<1024x1024xf32>
    %jit3A_149 = arith.constant 1073741824 : i32
    %broadcast_in_dim3A_150 = vector.broadcast %jit3A_149 : i32 to vector<1024x1024xi32>
    %select_n3A_151 = arith.select %eq3A_148, %iota3A, %broadcast_in_dim3A_150 : vector<1024x1024xi1>, vector<1024x1024xi32>
    %reduce_min3A_152 = arith.constant dense<2147483647> : vector<1024xi32>
    %reduce_min3A_153 = vector.multi_reduction <minsi>, %select_n3A_151, %reduce_min3A_152 [1] : vector<1024x1024xi32> to vector<1024xi32>
    %broadcast_in_dim3A_154 = vector.shape_cast %reduce_min3A_153 : vector<1024xi32> to vector<1024x1xi32>
    %add3A_155 = arith.constant 4096 : i32
    %add3A_156 = vector.broadcast %add3A_155 : i32 to vector<1024x1xi32>
    %add3A_157 = arith.addi %broadcast_in_dim3A_154, %add3A_156 : vector<1024x1xi32>
    %get3A_158 = arith.constant 0 : index
    %get3A_159 = arith.constant 5120 : index
    %get3A_160 = vector.load %arg2[%get3A_158, %get3A_159] : memref<32x8192xf32, #tpu.memory_space<vmem>>, vector<32x1024xf32>
    %dot_general3A_161 = arith.constant dense<0.000000e+00> : vector<1024x1024xf32>
    %dot_general3A_162 = tpu.matmul %convert_element_type3A_15, %get3A_160, %dot_general3A_161 {dimension_numbers = #tpu.dot_dimension_numbers<[1], [0], [0], [1], [0, 0, 1, 1], [], []>, transpose_lhs_hint = false} : vector<1024x32xf32>, vector<32x1024xf32>, vector<1024x1024xf32> -> vector<1024x1024xf32>
    %mul3A_163 = arith.mulf %get3A_160, %get3A_160 : vector<32x1024xf32>
    %reduce_sum3A_164 = arith.constant dense<0.000000e+00> : vector<1024xf32>
    %reduce_sum3A_165 = vector.multi_reduction <add>, %mul3A_163, %reduce_sum3A_164 [0] : vector<32x1024xf32> to vector<1024xf32>
    %broadcast_in_dim3A_166 = vector.shape_cast %reduce_sum3A_165 : vector<1024xf32> to vector<1x1024xf32>
    %mul3A_167 = arith.constant 2.500000e-01 : f32
    %mul3A_168 = vector.broadcast %mul3A_167 : f32 to vector<1x1024xf32>
    %mul3A_169 = arith.mulf %mul3A_168, %broadcast_in_dim3A_166 : vector<1x1024xf32>
    %add3A_170 = vector.broadcast %add3A_14 : vector<1024x1xf32> to vector<1024x1024xf32>
    %add3A_171 = vector.broadcast %mul3A_169 : vector<1x1024xf32> to vector<1024x1024xf32>
    %add3A_172 = arith.addf %add3A_170, %add3A_171 : vector<1024x1024xf32>
    %sub3A_173 = arith.subf %add3A_172, %dot_general3A_162 : vector<1024x1024xf32>
    %reduce_min3A_174 = arith.constant dense<0x7F800000> : vector<1024xf32>
    %reduce_min3A_175 = vector.multi_reduction <minimumf>, %sub3A_173, %reduce_min3A_174 [1] : vector<1024x1024xf32> to vector<1024xf32>
    %broadcast_in_dim3A_176 = vector.shape_cast %reduce_min3A_175 : vector<1024xf32> to vector<1024x1xf32>
    %eq3A_177 = vector.broadcast %broadcast_in_dim3A_176 : vector<1024x1xf32> to vector<1024x1024xf32>
    %eq3A_178 = arith.cmpf oeq, %sub3A_173, %eq3A_177 : vector<1024x1024xf32>
    %jit3A_179 = arith.constant 1073741824 : i32
    %broadcast_in_dim3A_180 = vector.broadcast %jit3A_179 : i32 to vector<1024x1024xi32>
    %select_n3A_181 = arith.select %eq3A_178, %iota3A, %broadcast_in_dim3A_180 : vector<1024x1024xi1>, vector<1024x1024xi32>
    %reduce_min3A_182 = arith.constant dense<2147483647> : vector<1024xi32>
    %reduce_min3A_183 = vector.multi_reduction <minsi>, %select_n3A_181, %reduce_min3A_182 [1] : vector<1024x1024xi32> to vector<1024xi32>
    %broadcast_in_dim3A_184 = vector.shape_cast %reduce_min3A_183 : vector<1024xi32> to vector<1024x1xi32>
    %add3A_185 = arith.constant 5120 : i32
    %add3A_186 = vector.broadcast %add3A_185 : i32 to vector<1024x1xi32>
    %add3A_187 = arith.addi %broadcast_in_dim3A_184, %add3A_186 : vector<1024x1xi32>
    %get3A_188 = arith.constant 0 : index
    %get3A_189 = arith.constant 6144 : index
    %get3A_190 = vector.load %arg2[%get3A_188, %get3A_189] : memref<32x8192xf32, #tpu.memory_space<vmem>>, vector<32x1024xf32>
    %dot_general3A_191 = arith.constant dense<0.000000e+00> : vector<1024x1024xf32>
    %dot_general3A_192 = tpu.matmul %convert_element_type3A_15, %get3A_190, %dot_general3A_191 {dimension_numbers = #tpu.dot_dimension_numbers<[1], [0], [0], [1], [0, 0, 1, 1], [], []>, transpose_lhs_hint = false} : vector<1024x32xf32>, vector<32x1024xf32>, vector<1024x1024xf32> -> vector<1024x1024xf32>
    %mul3A_193 = arith.mulf %get3A_190, %get3A_190 : vector<32x1024xf32>
    %reduce_sum3A_194 = arith.constant dense<0.000000e+00> : vector<1024xf32>
    %reduce_sum3A_195 = vector.multi_reduction <add>, %mul3A_193, %reduce_sum3A_194 [0] : vector<32x1024xf32> to vector<1024xf32>
    %broadcast_in_dim3A_196 = vector.shape_cast %reduce_sum3A_195 : vector<1024xf32> to vector<1x1024xf32>
    %mul3A_197 = arith.constant 2.500000e-01 : f32
    %mul3A_198 = vector.broadcast %mul3A_197 : f32 to vector<1x1024xf32>
    %mul3A_199 = arith.mulf %mul3A_198, %broadcast_in_dim3A_196 : vector<1x1024xf32>
    %add3A_200 = vector.broadcast %add3A_14 : vector<1024x1xf32> to vector<1024x1024xf32>
    %add3A_201 = vector.broadcast %mul3A_199 : vector<1x1024xf32> to vector<1024x1024xf32>
    %add3A_202 = arith.addf %add3A_200, %add3A_201 : vector<1024x1024xf32>
    %sub3A_203 = arith.subf %add3A_202, %dot_general3A_192 : vector<1024x1024xf32>
    %reduce_min3A_204 = arith.constant dense<0x7F800000> : vector<1024xf32>
    %reduce_min3A_205 = vector.multi_reduction <minimumf>, %sub3A_203, %reduce_min3A_204 [1] : vector<1024x1024xf32> to vector<1024xf32>
    %broadcast_in_dim3A_206 = vector.shape_cast %reduce_min3A_205 : vector<1024xf32> to vector<1024x1xf32>
    %eq3A_207 = vector.broadcast %broadcast_in_dim3A_206 : vector<1024x1xf32> to vector<1024x1024xf32>
    %eq3A_208 = arith.cmpf oeq, %sub3A_203, %eq3A_207 : vector<1024x1024xf32>
    %jit3A_209 = arith.constant 1073741824 : i32
    %broadcast_in_dim3A_210 = vector.broadcast %jit3A_209 : i32 to vector<1024x1024xi32>
    %select_n3A_211 = arith.select %eq3A_208, %iota3A, %broadcast_in_dim3A_210 : vector<1024x1024xi1>, vector<1024x1024xi32>
    %reduce_min3A_212 = arith.constant dense<2147483647> : vector<1024xi32>
    %reduce_min3A_213 = vector.multi_reduction <minsi>, %select_n3A_211, %reduce_min3A_212 [1] : vector<1024x1024xi32> to vector<1024xi32>
    %broadcast_in_dim3A_214 = vector.shape_cast %reduce_min3A_213 : vector<1024xi32> to vector<1024x1xi32>
    %add3A_215 = arith.constant 6144 : i32
    %add3A_216 = vector.broadcast %add3A_215 : i32 to vector<1024x1xi32>
    %add3A_217 = arith.addi %broadcast_in_dim3A_214, %add3A_216 : vector<1024x1xi32>
    %get3A_218 = arith.constant 0 : index
    %get3A_219 = arith.constant 7168 : index
    %get3A_220 = vector.load %arg2[%get3A_218, %get3A_219] : memref<32x8192xf32, #tpu.memory_space<vmem>>, vector<32x1024xf32>
    %dot_general3A_221 = arith.constant dense<0.000000e+00> : vector<1024x1024xf32>
    %dot_general3A_222 = tpu.matmul %convert_element_type3A_15, %get3A_220, %dot_general3A_221 {dimension_numbers = #tpu.dot_dimension_numbers<[1], [0], [0], [1], [0, 0, 1, 1], [], []>, transpose_lhs_hint = false} : vector<1024x32xf32>, vector<32x1024xf32>, vector<1024x1024xf32> -> vector<1024x1024xf32>
    %mul3A_223 = arith.mulf %get3A_220, %get3A_220 : vector<32x1024xf32>
    %reduce_sum3A_224 = arith.constant dense<0.000000e+00> : vector<1024xf32>
    %reduce_sum3A_225 = vector.multi_reduction <add>, %mul3A_223, %reduce_sum3A_224 [0] : vector<32x1024xf32> to vector<1024xf32>
    %broadcast_in_dim3A_226 = vector.shape_cast %reduce_sum3A_225 : vector<1024xf32> to vector<1x1024xf32>
    %mul3A_227 = arith.constant 2.500000e-01 : f32
    %mul3A_228 = vector.broadcast %mul3A_227 : f32 to vector<1x1024xf32>
    %mul3A_229 = arith.mulf %mul3A_228, %broadcast_in_dim3A_226 : vector<1x1024xf32>
    %add3A_230 = vector.broadcast %add3A_14 : vector<1024x1xf32> to vector<1024x1024xf32>
    %add3A_231 = vector.broadcast %mul3A_229 : vector<1x1024xf32> to vector<1024x1024xf32>
    %add3A_232 = arith.addf %add3A_230, %add3A_231 : vector<1024x1024xf32>
    %sub3A_233 = arith.subf %add3A_232, %dot_general3A_222 : vector<1024x1024xf32>
    %reduce_min3A_234 = arith.constant dense<0x7F800000> : vector<1024xf32>
    %reduce_min3A_235 = vector.multi_reduction <minimumf>, %sub3A_233, %reduce_min3A_234 [1] : vector<1024x1024xf32> to vector<1024xf32>
    %broadcast_in_dim3A_236 = vector.shape_cast %reduce_min3A_235 : vector<1024xf32> to vector<1024x1xf32>
    %eq3A_237 = vector.broadcast %broadcast_in_dim3A_236 : vector<1024x1xf32> to vector<1024x1024xf32>
    %eq3A_238 = arith.cmpf oeq, %sub3A_233, %eq3A_237 : vector<1024x1024xf32>
    %jit3A_239 = arith.constant 1073741824 : i32
    %broadcast_in_dim3A_240 = vector.broadcast %jit3A_239 : i32 to vector<1024x1024xi32>
    %select_n3A_241 = arith.select %eq3A_238, %iota3A, %broadcast_in_dim3A_240 : vector<1024x1024xi1>, vector<1024x1024xi32>
    %reduce_min3A_242 = arith.constant dense<2147483647> : vector<1024xi32>
    %reduce_min3A_243 = vector.multi_reduction <minsi>, %select_n3A_241, %reduce_min3A_242 [1] : vector<1024x1024xi32> to vector<1024xi32>
    %broadcast_in_dim3A_244 = vector.shape_cast %reduce_min3A_243 : vector<1024xi32> to vector<1024x1xi32>
    %add3A_245 = arith.constant 7168 : i32
    %add3A_246 = vector.broadcast %add3A_245 : i32 to vector<1024x1xi32>
    %add3A_247 = arith.addi %broadcast_in_dim3A_244, %add3A_246 : vector<1024x1xi32>
    %lt3A = arith.cmpf olt, %broadcast_in_dim3A_56, %broadcast_in_dim3A_29 : vector<1024x1xf32>
    %select_n3A_248 = arith.select %lt3A, %broadcast_in_dim3A_56, %broadcast_in_dim3A_29 : vector<1024x1xi1>, vector<1024x1xf32>
    %select_n3A_249 = arith.select %lt3A, %add3A_67, %add3A_37 : vector<1024x1xi1>, vector<1024x1xi32>
    %lt3A_250 = arith.cmpf olt, %broadcast_in_dim3A_116, %broadcast_in_dim3A_86 : vector<1024x1xf32>
    %select_n3A_251 = arith.select %lt3A_250, %broadcast_in_dim3A_116, %broadcast_in_dim3A_86 : vector<1024x1xi1>, vector<1024x1xf32>
    %select_n3A_252 = arith.select %lt3A_250, %add3A_127, %add3A_97 : vector<1024x1xi1>, vector<1024x1xi32>
    %lt3A_253 = arith.cmpf olt, %broadcast_in_dim3A_176, %broadcast_in_dim3A_146 : vector<1024x1xf32>
    %select_n3A_254 = arith.select %lt3A_253, %broadcast_in_dim3A_176, %broadcast_in_dim3A_146 : vector<1024x1xi1>, vector<1024x1xf32>
    %select_n3A_255 = arith.select %lt3A_253, %add3A_187, %add3A_157 : vector<1024x1xi1>, vector<1024x1xi32>
    %lt3A_256 = arith.cmpf olt, %broadcast_in_dim3A_236, %broadcast_in_dim3A_206 : vector<1024x1xf32>
    %select_n3A_257 = arith.select %lt3A_256, %broadcast_in_dim3A_236, %broadcast_in_dim3A_206 : vector<1024x1xi1>, vector<1024x1xf32>
    %select_n3A_258 = arith.select %lt3A_256, %add3A_247, %add3A_217 : vector<1024x1xi1>, vector<1024x1xi32>
    %convert_element_type3A_259 = arith.truncf %select_n3A_248 : vector<1024x1xf32> to vector<1024x1xbf16>
    %convert_element_type3A_260 = arith.extf %convert_element_type3A_259 : vector<1024x1xbf16> to vector<1024x1xf32>
    %lt3A_261 = arith.cmpf olt, %select_n3A_251, %convert_element_type3A_260 : vector<1024x1xf32>
    %select_n3A_262 = arith.select %lt3A_261, %select_n3A_251, %select_n3A_248 : vector<1024x1xi1>, vector<1024x1xf32>
    %select_n3A_263 = arith.select %lt3A_261, %select_n3A_252, %select_n3A_249 : vector<1024x1xi1>, vector<1024x1xi32>
    %convert_element_type3A_264 = arith.truncf %select_n3A_254 : vector<1024x1xf32> to vector<1024x1xbf16>
    %convert_element_type3A_265 = arith.extf %convert_element_type3A_264 : vector<1024x1xbf16> to vector<1024x1xf32>
    %lt3A_266 = arith.cmpf olt, %select_n3A_257, %convert_element_type3A_265 : vector<1024x1xf32>
    %select_n3A_267 = arith.select %lt3A_266, %select_n3A_257, %select_n3A_254 : vector<1024x1xi1>, vector<1024x1xf32>
    %select_n3A_268 = arith.select %lt3A_266, %select_n3A_258, %select_n3A_255 : vector<1024x1xi1>, vector<1024x1xi32>
    %convert_element_type3A_269 = arith.truncf %select_n3A_262 : vector<1024x1xf32> to vector<1024x1xbf16>
    %convert_element_type3A_270 = arith.extf %convert_element_type3A_269 : vector<1024x1xbf16> to vector<1024x1xf32>
    %lt3A_271 = arith.cmpf olt, %select_n3A_267, %convert_element_type3A_270 : vector<1024x1xf32>
    %select_n3A_272 = arith.select %lt3A_271, %select_n3A_267, %select_n3A_262 : vector<1024x1xi1>, vector<1024x1xf32>
    %select_n3A_273 = arith.select %lt3A_271, %select_n3A_268, %select_n3A_263 : vector<1024x1xi1>, vector<1024x1xi32>
    %swap3A = arith.constant 0 : index
    %swap3A_274 = arith.constant 0 : index
    %swap3A_275 = vector.load %arg3[%swap3A, %swap3A_274] : memref<1024x1xi32, #tpu.memory_space<vmem>>, vector<1024x1xi32>
    tpu.vector_store %arg3[%swap3A, %swap3A_274], %select_n3A_273 {strides = array<i32>} : memref<1024x1xi32, #tpu.memory_space<vmem>>, vector<1024x1xi32>,
    %eq3A_276 = arith.constant 0 : i32
    %eq3A_277 = arith.cmpi eq, %arg0, %eq3A_276 : i32
    %convert_element_type3A_278 = arith.extui %eq3A_277 : i1 to i32
    %cond3A = arith.constant 0 : i32
    %cond3A_279 = arith.cmpi ne, %convert_element_type3A_278, %cond3A : i32
    scf.if %cond3A_279 {
      %swap3A_297 = arith.constant 0.000000e+00 : f32
      %swap3A_298 = arith.constant 0 : index
      %swap3A_299 = arith.constant 0 : index
      %swap3A_300 = memref.load %arg5[%swap3A_298, %swap3A_299] : memref<1x1xf32, #tpu.memory_space<smem>>
      memref.store %swap3A_297, %arg5[%swap3A_298, %swap3A_299] : memref<1x1xf32, #tpu.memory_space<smem>>
    } else {
    }
    %get3A_280 = arith.constant 0 : index
    %get3A_281 = arith.constant 0 : index
    %get3A_282 = memref.load %arg5[%get3A_280, %get3A_281] : memref<1x1xf32, #tpu.memory_space<smem>>
    %reduce_sum3A_283 = vector.shape_cast %select_n3A_272 : vector<1024x1xf32> to vector<1x1024x1xf32>
    %reduce_sum3A_284 = arith.constant dense<0.000000e+00> : vector<1xf32>
    %reduce_sum3A_285 = vector.multi_reduction <add>, %reduce_sum3A_283, %reduce_sum3A_284 [1, 2] : vector<1x1024x1xf32> to vector<1xf32>
    %reduce_sum3A_286 = vector.shape_cast %reduce_sum3A_285 : vector<1xf32> to vector<1x1x1xf32>
    %reduce_sum3A_287 = vector.extract %reduce_sum3A_286[0, 0, 0] : f32 from vector<1x1x1xf32>
    %add3A_288 = arith.addf %get3A_282, %reduce_sum3A_287 : f32
    %swap3A_289 = arith.constant 0 : index
    %swap3A_290 = arith.constant 0 : index
    %swap3A_291 = memref.load %arg5[%swap3A_289, %swap3A_290] : memref<1x1xf32, #tpu.memory_space<smem>>
    memref.store %add3A_288, %arg5[%swap3A_289, %swap3A_290] : memref<1x1xf32, #tpu.memory_space<smem>>
    %eq3A_292 = arith.constant 7 : i32
    %eq3A_293 = arith.cmpi eq, %arg0, %eq3A_292 : i32
    %convert_element_type3A_294 = arith.extui %eq3A_293 : i1 to i32
    %cond3A_295 = arith.constant 0 : i32
    %cond3A_296 = arith.cmpi ne, %convert_element_type3A_294, %cond3A_295 : i32
    scf.if %cond3A_296 {
      %get3A_297 = arith.constant 0 : index
      %get3A_298 = arith.constant 0 : index
      %get3A_299 = memref.load %arg5[%get3A_297, %get3A_298] : memref<1x1xf32, #tpu.memory_space<smem>>
      %mul3A_300 = arith.constant 1.250000e+00 : f32
      %mul3A_301 = arith.mulf %mul3A_300, %get3A_299 : f32
      %div3A = arith.constant 2.621440e+05 : f32
      %div3A_302 = arith.divf %mul3A_301, %div3A : f32
      %broadcast_in_dim3A_303 = vector.broadcast %div3A_302 : f32 to vector<1x1xf32>
      %swap3A_304 = arith.constant 0 : index
      %swap3A_305 = arith.constant 0 : index
      %swap3A_306 = vector.load %arg4[%swap3A_304, %swap3A_305] : memref<1x1xf32, #tpu.memory_space<vmem>>, vector<1x1xf32>
      tpu.vector_store %arg4[%swap3A_304, %swap3A_305], %broadcast_in_dim3A_303 {strides = array<i32>} : memref<1x1xf32, #tpu.memory_space<vmem>>, vector<1x1xf32>,
    } else {
    }
    return
  }
  func.func @transform_0(%arg0: i32) -> (i32, i32) {
    %c0_i32 = arith.constant 0 : i32
    %c0_i32_0 = arith.constant 0 : i32
    return %arg0, %c0_i32 : i32, i32
  }
  func.func @transform_1(%arg0: i32) -> (i32, i32) {
    %c0_i32 = arith.constant 0 : i32
    %c0_i32_0 = arith.constant 0 : i32
    %c0_i32_1 = arith.constant 0 : i32
    return %c0_i32, %c0_i32_0 : i32, i32
  }
  func.func @transform_2(%arg0: i32) -> (i32, i32) {
    %c0_i32 = arith.constant 0 : i32
    %c0_i32_0 = arith.constant 0 : i32
    return %arg0, %c0_i32 : i32, i32
  }
  func.func @transform_3(%arg0: i32) -> (i32, i32) {
    %c0_i32 = arith.constant 0 : i32
    %c0_i32_0 = arith.constant 0 : i32
    %c0_i32_1 = arith.constant 0 : i32
    return %c0_i32, %c0_i32_0 : i32, i32
  }
}

module attributes {stable_mosaic.version = 14 : i64} {
  func.func @_k3_body(%arg0: memref<2x8192xf32, #tpu.memory_space<vmem>>, %arg1: memref<1x1xf32, #tpu.memory_space<vmem>>) attributes {dimension_semantics = [], scalar_prefetch = 0 : i64, scratch_operands = 0 : i64, tpu.core_type = #tpu.core_type<tc>} {
    %get3A = arith.constant 0 : index
    %get3A_0 = arith.constant 0 : index
    %get3A_1 = vector.load %arg0[%get3A, %get3A_0] : memref<2x8192xf32, #tpu.memory_space<vmem>>, vector<1x8192xf32>
    %get3A_2 = arith.constant 1 : index
    %get3A_3 = arith.constant 0 : index
    %get3A_4 = vector.load %arg0[%get3A_2, %get3A_3] : memref<2x8192xf32, #tpu.memory_space<vmem>>, vector<1x8192xf32>
    %add3A = arith.addf %get3A_1, %get3A_4 : vector<1x8192xf32>
    %mul3A = arith.constant 1.22070313E-4 : f32
    %mul3A_5 = vector.broadcast %mul3A : f32 to vector<1x8192xf32>
    %mul3A_6 = arith.mulf %add3A, %mul3A_5 : vector<1x8192xf32>
    %add3A_7 = arith.constant 9.99999996E-13 : f32
    %add3A_8 = vector.broadcast %add3A_7 : f32 to vector<1x8192xf32>
    %add3A_9 = arith.addf %mul3A_6, %add3A_8 : vector<1x8192xf32>
    %log3A = math.log %add3A_9 : vector<1x8192xf32>
    %mul3A_10 = arith.mulf %mul3A_6, %log3A : vector<1x8192xf32>
    %reduce_sum3A = vector.shape_cast %mul3A_10 : vector<1x8192xf32> to vector<1x1x8192xf32>
    %reduce_sum3A_11 = arith.constant dense<0.000000e+00> : vector<1xf32>
    %reduce_sum3A_12 = vector.multi_reduction <add>, %reduce_sum3A, %reduce_sum3A_11 [1, 2] : vector<1x1x8192xf32> to vector<1xf32>
    %reduce_sum3A_13 = vector.shape_cast %reduce_sum3A_12 : vector<1xf32> to vector<1x1x1xf32>
    %reduce_sum3A_14 = vector.extract %reduce_sum3A_13[0, 0, 0] : f32 from vector<1x1x1xf32>
    %neg3A = arith.constant 0.000000e+00 : f32
    %neg3A_15 = arith.subf %neg3A, %reduce_sum3A_14 : f32
    %exp3A = math.exp %neg3A_15 : f32
    %broadcast_in_dim3A = vector.broadcast %exp3A : f32 to vector<1x1xf32>
    %swap3A = arith.constant 0 : index
    %swap3A_16 = arith.constant 0 : index
    %swap3A_17 = vector.load %arg1[%swap3A, %swap3A_16] : memref<1x1xf32, #tpu.memory_space<vmem>>, vector<1x1xf32>
    tpu.vector_store %arg1[%swap3A, %swap3A_16], %broadcast_in_dim3A {strides = array<i32>} : memref<1x1xf32, #tpu.memory_space<vmem>>, vector<1x1xf32>,
    return
  }
}

</mosaic_0001>

<sc_bundles>
// kernel: kernel.5.cloned.1.call-start
scs
__scs_entry_jumppad:
0x0: {  	(pc) =	sbr.rel $0x88, $3  }
0x1: {  	(tag) =	ssettag $0x0;
	lr =	simm.s32 $0x1  }
0x2: {  	[smem:$0x3F9F] =	sst lr;
	_ =	strace $0xD0000000  }
0x3: {  	_ = 	snop  }
0x4: {  	_ = 	snop  }
0x5: {  	_ = 	snop  }
0x6: {  	_ = 	snop  }
0x7: {  	_ = 	snop  }
__scs_overlays_trampoline_lowered:
0x8: {  	[smem:$0x3FAE] =	sst s0  }
0x9: {  	[smem:$0x3FAF] =	sst s1  }
0xa: {  	[smem:$0x3FB0] =	sst s2  }
0xb: {  	[smem:$0x3FB1] =	sst s3  }
0xc: {  	[smem:$0x3FB2] =	sst s4  }
0xd: {  	[smem:$0x3FB3] =	sst s5  }
0xe: {  	[smem:$0x3FB4] =	sst s6  }
0xf: {  	[smem:$0x3FB5] =	sst s7  }
0x10: {  	[smem:$0x3FB6] =	sst s8  }
0x11: {  	[smem:$0x3FB7] =	sst s9;
	s0 =	simm.s32 @!p0 $0x0  }
0x12: {  	s1 =	sld [smem:$0x3F9D];
	s0 =	simm.s32 @p0 $0x1  }
0x13: {  	[smem:$0x3FB8] =	sst s0;
	s0 =	simm.s32 @!p1 $0x0  }
0x14: {  	s2 =	sld [smem:$0x3F9C];
	s0 =	simm.s32 @p1 $0x1  }
0x15: {  	[smem:$0x3FB9] =	sst s0;
	s0 =	simm.s32 @!p2 $0x0  }
0x16: {  	s3 =	sld [smem:$0x3FDB];
	s0 =	simm.s32 @p2 $0x1  }
0x17: {  	s4 =	simm.s32 $0x1BF5;
	[smem:$0x3FBB] =	sst s0  }
0x18: {  	s0 =	sld [smem:$0x3F9E];
	_ =	swait.ge [sflag:s4], $0x0  }
0x19: {  	s7 =	sld [smem:$0x3F9F]  }
0x1a: {  	s8 =	sadd.s32 $0xFFFFE003, lr  }
0x1b: {  	s9 =	sadd.s32 $0xFFFFFEF7, lr;
	s5 =	simm.s32 $0xFFFFFFFF;
	p2 =	slt.u32 s8, $0xFFFFF086  }
0x1c: {  	p1 =	slt.u32 s9, $0xF7A;
	s5 =	simm.s32 @!p2 $0x0  }
0x1d: {  	s5 =	simm.s32 @p1 $0x1;
	p0 =	seq.s32 s7, s2  }
0x1e: {  	s7 =	smul.u32 @!p0 $0xF7A, s2;
	p2 =	seq.s32 @!p0 s5, $0x0  }
0x1f: {  	s9 =	smul.u32 $0xF7A, s1;
	s8 =	simm.s32 @!p0 $0x1BF5;
	p2 =	por !p2, p0  }
0x20: {  	[sflag:s8] =	ssyncset.s32 @!p0 $0xFFFFF086;
	s6 =	sadd.s32 @!p0 s3, s7;
	s7 =	simm.s32 @!p0 $0x108  }
0x21: {  	s3 =	sadd.s32 s3, s9;
	s6 =	sadd.s32 @!p0 $0x88, s6;
	s7 =	simm.s32 @p2 $0x1082  }
0x22: {  	[simem:s7], [sflag:s8] =	dma.local @!p0 [hbm:s6], $0xF7A  }
0x23: {  	s9 =	sor.u32 $0xD0000000, s2;
	s6 =	simm.s32 $0x108;
	_ =	swait.ge @!p0 [sflag:s8], $0x0  }
0x24: {  	s3 =	sadd.s32 $0x88, s3;
	s6 =	simm.s32 @!p1 $0x1082;
	[sflag:s4] =	ssyncset.s32 $0xFFFFF086  }
0x25: {  	[simem:s6], [sflag:s4] =	dma.local [hbm:s3], $0xF7A  }
0x26: {  	[smem:$0x3F9F] =	sst s1;
	(tag) =	ssettag s2;
	_ =	strace s9  }
0x27: {  	s1 =	sld [smem:$0x3FAF]  }
0x28: {  	s2 =	sld [smem:$0x3FB0]  }
0x29: {  	s4 =	sld [smem:$0x3FB2]  }
0x2a: {  	p0 =	seq.s32 s5, $0x0;
	s5 =	sld [smem:$0x3FB3]  }
0x2b: {  	s6 =	sld [smem:$0x3FB4]  }
0x2c: {  	s7 =	sld [smem:$0x3FB5]  }
0x2d: {  	s3 =	simm.s32 $0x108;
	s8 =	sld [smem:$0x3FB6]  }
0x2e: {  	s3 =	simm.s32 @!p0 $0x1082;
	s9 =	sld [smem:$0x3FB7]  }
0x2f: {  	lr =	sadd.s32 s0, s3;
	s0 =	sld [smem:$0x3FAE]  }
0x30: {  	s3 =	sld [smem:$0x3FB1]  }
0x31: {  	[smem:$0x3FBA] =	sst s10  }
0x32: {  	s10 =	sld [smem:$0x3FB8];
	_ =	sdelay $0x3  }
0x33: {  	p0 =	seq.s32 s10, $0x1;
	s10 =	sld [smem:$0x3FBA];
	_ =	sdelay $0x3  }
0x34: {  	[smem:$0x3FBA] =	sst s10  }
0x35: {  	s10 =	sld [smem:$0x3FB9];
	_ =	sdelay $0x3  }
0x36: {  	p1 =	seq.s32 s10, $0x1;
	s10 =	sld [smem:$0x3FBA];
	_ =	sdelay $0x3  }
0x37: {  	[smem:$0x3FBA] =	sst s10  }
0x38: {  	s10 =	sld [smem:$0x3FBB]  }
0x39: {  	_ = 	snop;
	(pc) =	sbr.ind lr, $3  }
0x3a: {  	_ = 	snop  }
0x3b: {  	_ = 	snop  }
0x3c: {  	p2 =	seq.s32 s10, $0x1;
	s10 =	sld [smem:$0x3FBA]  }
0x3d: {  	_ =	shalt  }
0x3e: {  	_ =	shalt  }
0x3f: {  	_ =	shalt  }
0x40: {  	_ =	shalt  }
0x41: {  	_ =	shalt  }
0x42: {  	_ =	shalt  }
0x43: {  	_ =	shalt  }
0x44: {  	_ =	shalt  }
0x45: {  	_ =	shalt  }
0x46: {  	_ =	shalt  }
0x47: {  	_ =	shalt  }
0x48: {  	_ =	shalt  }
0x49: {  	_ =	shalt  }
0x4a: {  	_ =	shalt  }
0x4b: {  	_ =	shalt  }
0x4c: {  	_ =	shalt  }
0x4d: {  	_ =	shalt  }
0x4e: {  	_ =	shalt  }
0x4f: {  	_ =	shalt  }
0x50: {  	_ =	shalt  }
0x51: {  	_ =	shalt  }
0x52: {  	_ =	shalt  }
0x53: {  	_ =	shalt  }
0x54: {  	_ =	shalt  }
0x55: {  	_ =	shalt  }
0x56: {  	_ =	shalt  }
0x57: {  	_ =	shalt  }
0x58: {  	_ =	shalt  }
0x59: {  	_ =	shalt  }
0x5a: {  	_ =	shalt  }
0x5b: {  	_ =	shalt  }
0x5c: {  	_ =	shalt  }
0x5d: {  	_ =	shalt  }
0x5e: {  	_ =	shalt  }
0x5f: {  	_ =	shalt  }
0x60: {  	_ =	shalt  }
0x61: {  	_ =	shalt  }
0x62: {  	_ =	shalt  }
0x63: {  	_ =	shalt  }
0x64: {  	_ =	shalt  }
0x65: {  	_ =	shalt  }
0x66: {  	_ =	shalt  }
0x67: {  	_ =	shalt  }
0x68: {  	_ =	shalt  }
0x69: {  	_ =	shalt  }
0x6a: {  	_ =	shalt  }
0x6b: {  	_ =	shalt  }
0x6c: {  	_ =	shalt  }
0x6d: {  	_ =	shalt  }
0x6e: {  	_ =	shalt  }
0x6f: {  	_ =	shalt  }
0x70: {  	_ =	shalt  }
0x71: {  	_ =	shalt  }
0x72: {  	_ =	shalt  }
0x73: {  	_ =	shalt  }
0x74: {  	_ =	shalt  }
0x75: {  	_ =	shalt  }
0x76: {  	_ =	shalt  }
0x77: {  	_ =	shalt  }
0x78: {  	_ =	shalt  }
0x79: {  	_ =	shalt  }
0x7a: {  	_ =	shalt  }
0x7b: {  	_ =	shalt  }
0x7c: {  	_ =	shalt  }
0x7d: {  	_ =	shalt  }
0x7e: {  	_ =	shalt  }
0x7f: {  	_ =	shalt  }
0x80: {  	_ =	shalt  }
0x81: {  	_ =	shalt  }
0x82: {  	_ =	shalt  }
0x83: {  	_ =	shalt  }
0x84: {  	_ =	shalt  }
0x85: {  	_ =	shalt  }
0x86: {  	_ =	shalt  }
0x87: {  	_ =	shalt  }
.Lfunc_end0:
.L_simem_size_0:
called_computation_lowered:
.L_overlay_start_0:
0x88: {  	s2 =	sld [smem:$0x3FD9]  }
0x89: {  	s3 =	sld [smem:$0x3FFE];
	_ =	sdelay $0x1  }
0x8a: {  	s1 =	srdreg.scid  }
0x8b: {  	s0 =	sand.u32 $0x1, s1  }
0x8c: {  	s14 =	sshll.u32 s0, $0xA;
	s2 =	sadd.s32 s3, s2  }
0x8d: {  	s2 =	sadd.s32 s2, s14  }
0x8e: {  	[smem:$0x3FC6] =	sst s2  }
0x8f: {  	_ = 	snop  }
0x90: {  	s2 =	sld [smem:$0x3FD0];
	_ =	sdelay $0x2  }
0x91: {  	s15 =	simm.s32 $0xA;
	s4 =	simm.s32 $0x10  }
0x92: {  	[smem:s4], [sflag:s15] =	dma.local [hbm:s2], $0x1  }
0x93: {  	_ =	swait.eq [sflag:s15], $0x1  }
0x94: {  	[sflag:s15] =	ssyncset.done $0x0  }
0x95: {  	s16 =	sld [smem:$0x10];
	[sflag:s15] =	ssyncadd.s32 $0xFFFFFFFF  }
0x96: {  	s17 =	sld [smem:$0x12];
	(tm) =	ssettm $0x1  }
0x97: {  	s18 =	sld [smem:$0x3FFB];
	_ =	sdelay $0x3  }
0x98: {  	_ =	strace s18  }
0x99: {  	s4 =	sld [smem:$0x3FFC];
	_ =	sdelay $0x3  }
0x9a: {  	_ =	strace s4  }
0x9b: {  	s4 =	sld [smem:$0x3FFD];
	_ =	sdelay $0x3  }
0x9c: {  	_ =	strace s4  }
0x9d: {  	_ =	strace $0x8FFFFFFF  }
0x9e: {  	s19 =	sld [smem:$0x3FDB];
	_ =	sdelay $0x1  }
0x9f: {  	s5 =	simm.s32 $_scs_section_size  }
0xa0: {  	s6 =	simm.s32 $_size__tile_overlayer_lowered;
	s7 =	simm.s32 $_tile_overlayer_lowered  }
0xa1: {  	s22 =	simm.s32 $0x1BFF;
	s21 =	sshll.u32 s7, $0x1;
	s4 =	sadd.s32 s5, s19  }
0xa2: {  	s8 =	simm.s32 $0x0;
	s20 =	sshll.u32 s6, $0x1;
	s6 =	sadd.s32 s21, s4  }
0xa3: {  	[timem:s8], [sflag:s22] =	dma.local [hbm:s6], s20  }
0xa4: {  	_ =	swait.ge [sflag:s22], s20  }
0xa5: {  	s5 =	ssub.s32 $0x0, s20;
	[sflag:s22] =	ssyncset.done $0x0  }
0xa6: {  	[sflag:s22] =	ssyncadd.s32 s5;
	_ =	sdelay $0x1  }
0xa7: {  	s23 =	simm.s32 $0x1B8B  }
0xa8: {  	_ =	swait.ge [sflag:s23], $0x1  }
0xa9: {  	[sflag:s23] =	ssyncset.done $0x0  }
0xaa: {  	s25 =	simm.s32 $0x1B8E;
	s24 =	sld [smem:$0x3FFE];
	[sflag:s23] =	ssyncadd.s32 $0xFFFFFFFF  }
0xab: {  	s26 =	simm.s32 $execute0_lowered;
	[smem:$0x3FD2] =	sst s25  }
0xac: {  	s6 =	sshll.u32 s26, $0x1;
	_ =	strace $0x80000046;
	[dreg:$0x1] =	wrdreg $0xFFFFFFFF  }
0xad: {  	s28 =	simm.s32 $_size_execute0_lowered;
	s4 =	sadd.s32 s4, s6;
	[dreg:$0x0] =	wrdreg $0x0  }
0xae: {  	s6 =	sshll.u32 s28, $0x1;
	[dreg:$0x2] =	wrdreg s4  }
0xaf: {  	[dreg:$0x3] =	wrdreg s6  }
0xb0: {  	[dreg:$0x4] =	wrdreg $0xC0  }
0xb1: {  	_ =	task [dreg:s8], $0x5FFFF  }
0xb2: {  	[dreg:$0x1] =	wrdreg $0xFFFFFFFF  }
0xb3: {  	[dreg:$0x0] =	wrdreg $0x60  }
0xb4: {  	[dreg:$0x2] =	wrdreg s16  }
0xb5: {  	[dreg:$0x3] =	wrdreg s17  }
0xb6: {  	[dreg:$0x4] =	wrdreg s24  }
0xb7: {  	[dreg:$0x5] =	wrdreg $0x22000  }
0xb8: {  	[dreg:$0x6] =	wrdreg $0x9  }
0xb9: {  	_ =	task.clear_ibuf [dreg:s8], $0x7FFFF;
	_ =	strace $0x90000046  }
0xba: {  	s29 =	simm.s32 $0x9;
	_ =	strace $0x80000048  }
0xbb: {  	_ =	swait.ge [sflag:s29], $0x1  }
0xbc: {  	[sflag:s29] =	ssyncadd.s32 $0xFFFFFFFF  }
0xbd: {  	_ =	strace $0x90000048  }
0xbe: {  	_ =	sfence  }
0xbf: {  	s30 =	sld [smem:$0x0];
	_ =	sdelay $0x2  }
0xc0: {  	s31 =	sshll.u32 s1, $0xD;
	s1 =	sshrl.u32 s1, $0x2  }
0xc1: {  	s3 =	sand.u32 $0x4000, s31;
	s1 =	sadd.s32 s1, s30  }
0xc2: {  	s0 =	sor.u32 s3, s0;
	s1 =	sshll.u32 s1, $0x11  }
0xc3: {  	s0 =	sor.u32 s1, s0  }
0xc4: {  	s0 =	sadd.s32 $0x8F2B, s0  }
0xc5: {  	[sflag:s0] =	ssyncadd.remote.s32 $0x1  }
0xc6: {  	_ =	sfence.sel $0xFFFF  }
0xc7: {  	[dreg:$0x0] =	wrdreg $0xFFFFFFFF;
	(pc) =	sbr.abs _section_cstart, $3  }
0xc8: {  	[dreg:$0x1] =	wrdreg $0xFFFFFFFF  }
0xc9: {  	_ =	task.clear_ibuf [dreg:s8], $0x2FFFF;
	_ =	strace $0x9FFFFFFF  }
0xca: {  	(tm) =	ssettm $0x7FFFFFFF  }
0xcb: {  	_ =	shalt  }
tec
execute0_lowered:
.L_overlay_start_1:
0x0: {  	(tag) =	ssettag $0x1  }
0x1: {  	s2 =	rddreg [dreg:$0x0]  }
0x2: {  	s4 =	rddreg [dreg:$0x1]  }
0x3: {  	s17 =	rddreg [dreg:$0x2]  }
0x4: {  	s0 =	srdreg.scid;
	s12 =	stileid.u32  }
0x5: {  	s1 =	rddreg [dreg:$0x3];
	s11 =	sand.u32 $0x1, s0;
	s5 =	sshll.u32 s12, $0x1  }
0x6: {  	s3 =	simm.s32 $0x0;
	s0 =	rddreg [dreg:$0x4];
	s10 =	sor.u32 s11, s5  }
0x7: {  	[smem:$0x7FF] =	sst s3;
	s5 =	sshll.u32 s10, $0x5  }
0x8: {  	_ =	strace $0x80000047;
	s4 =	sadd.s32 s4, s5;
	s5 =	simm.s32 $0x2  }
0x9: {  	[tilespmem:s3], [sflag:$0x2] =	stream.linear.gather [hbm4b:s4+s3], $0x100, $0x38;
	[tilespmem:$0x2400] =	vst v63  }
0xa: {  	_ =	swait.ge [sflag:s5], $0x100  }
0xb: {  	s6 =	simm.s32 $0x80;
	[sflag:s5] =	ssyncset.done $0x0  }
0xc: {  	s7 =	simm.s32 $0x100;
	s8 =	simm.s32 $0x1;
	[sflag:s5] =	ssyncadd.s32 $0xFFFFFF00  }
0xd: {  	[tilespmem:s7], [sflag:$0x1] =	stream.indirect.gather [hbm4b:s2+s6], $0x20, s3, s6, $0xb8;
	[tilespmem:$0x2400] =	vst v63  }
0xe: {  	_ =	swait.ge [sflag:s8], $0x1000  }
0xf: {  	[sflag:s8] =	ssyncset.done $0x0  }
0x10: {  	s9 =	simm.s32 $0x1100;
	[sflag:s8] =	ssyncadd.s32 $0xFFFFF000  }
0x11: {  	[tilespmem:s9], [sflag:$0x1] =	stream.indirect.gather [hbm4b:s2+s6], $0x20, s6, s6, $0xb8;
	[tilespmem:$0x2400] =	vst v63  }
0x12: {  	s10 =	sshll.u32 s10, $0xA;
	_ =	swait.ge [sflag:s8], $0x1000  }
0x13: {  	s10 =	sadd.s32 s10, s17;
	[sflag:s8] =	ssyncset.done $0x0  }
0x14: {  	s10 =	sadd.s32 $0xE00, s10;
	[sflag:s8] =	ssyncadd.s32 $0xFFFFF000  }
0x15: {  	[hbm4b:s10+s3] =	stream.linear.scatter [tilespmem:s7], [sflag:$0x2], $0x2000, $0x38;
	[tilespmem:$0x2400] =	vst v63  }
0x16: {  	_ =	swait.ge [sflag:s5], $0x2000  }
0x17: {  	[sflag:s5] =	ssyncset.done $0x0  }
0x18: {  	v0 =	vimm.f32 $1.000000000e+00;
	[sflag:s5] =	ssyncadd.s32 $0xFFFFE000  }
0x19: {  	[tilespmem:$0x21F0] =	vst v0  }
0x1a: {  	[tilespmem:$0x21E0] =	vst v0  }
0x1b: {  	[tilespmem:$0x21D0] =	vst v0  }
0x1c: {  	[tilespmem:$0x21C0] =	vst v0  }
0x1d: {  	[tilespmem:$0x21B0] =	vst v0  }
0x1e: {  	[tilespmem:$0x21A0] =	vst v0  }
0x1f: {  	[tilespmem:$0x2190] =	vst v0  }
0x20: {  	[tilespmem:$0x2180] =	vst v0  }
0x21: {  	[tilespmem:$0x2170] =	vst v0  }
0x22: {  	[tilespmem:$0x2160] =	vst v0  }
0x23: {  	[tilespmem:$0x2150] =	vst v0  }
0x24: {  	[tilespmem:$0x2140] =	vst v0  }
0x25: {  	[tilespmem:$0x2130] =	vst v0  }
0x26: {  	p0 =	sne.s32 s12, $0x0;
	[tilespmem:$0x2120] =	vst v0  }
0x27: {  	s12 =	simm.s32 @p0 $0x80;
	[tilespmem:$0x2100] =	vst v0  }
0x28: {  	s13 =	simm.s32 @p0 $0x0;
	s14 =	simm.s32 @p0 $0x2100;
	s15 =	ssub.s32 $0x2, s11;
	[tilespmem:$0x2110] =	vst v0  }
0x29: {  	s16 =	simm.s32 @p0 $0x2;
	s18 =	sshrl.u32 s15, $0x1;
	[bflag:$0x0] =	sbarrier.arrive @p0 $0xFFFF  }
0x2a: {  	[spmem:s1] =	stream.indirect.scatter.add.f32 @p0 [tilespmem:s14], [sflag:$0x2], $0x1, s13, s12, $0xb8;
	[tilespmem:$0x2400] =	vst v63  }
0x2b: {  	s30 =	ssub.s32 s15, s18;
	_ =	swait.ge @p0 [sflag:s16], $0x80  }
0x2c: {  	s15 =	smax.u32 s30, $0x1;
	[sflag:s16] =	ssyncset.done @p0 $0x0  }
0x2d: {  	s19 =	simm.s32 @p0 $0x2180;
	s22 =	sadd.s32 $0xFFFFFFFF, s15;
	[sflag:s16] =	ssyncadd.s32 @p0 $0xFFFFFF80  }
0x2e: {  	[spmem:s1] =	stream.indirect.scatter.add.f32 @p0 [tilespmem:s19], [sflag:$0x2], $0x1, s12, s12, $0xb8;
	[tilespmem:$0x2400] =	vst v63  }
0x2f: {  	s20 =	sadd.s32 $0xA00, s17;
	p1 =	sne.s32 s22, $0x0;
	_ =	swait.ge @p0 [sflag:s16], $0x80  }
.Ltmp0:
0x30: {  	s21 =	sshll.u32 s11, $0xA;
	[sflag:s16] =	ssyncset.done @p0 $0x0;
	(pc) =	sbr.rel @!p1 .LBB2_2-.Ltmp0, $4  }
0x31: {  	s11 =	sshrl.u32 @!p0 s1, $0x3;
	s31 =	sadd.s32 s21, s17;
	[sflag:s16] =	ssyncadd.s32 @p0 $0xFFFFFF80  }
0x32: {  	s17 =	simm.s32 @!p0 $0x2;
	s15 =	simm.s32 @!p0 $0x1C02;
	[bflag:$0x0] =	sbarrier.arrive @p0 $0xFFFF  }
0x33: {  	[spmem:s11], [sflag:s15] =	dma.local @!p0 [hbm:s20], $0x400  }
0x34: {  	s21 =	simm.s32 @!p0 $0x2100;
	s18 =	sadd.s32 $0x8E00, s31;
	_ =	swait.ge @!p0 [sflag:s17], $0x400  }
.LBB2_1:
0x35: {  	s22 =	sadd.s32 $0xFFFFFFFF, s22;
	[sflag:s17] =	ssyncset.done @!p0 $0x0;
	s23 =	simm.s32 @!p0 $0x0  }
0x36: {  	s24 =	simm.s32 @!p0 $0x80;
	p1 =	sne.s32 s22, $0x0;
	[sflag:s17] =	ssyncadd.s32 @!p0 $0xFFFFFC00  }
0x37: {  	[bflag:$0x0] =	sbarrier.arrive @!p0 $0xFFFF  }
0x38: {  	[spmem:s1] =	stream.indirect.scatter.add.f32 @!p0 [tilespmem:s21], [sflag:$0x2], $0x1, s23, s24, $0xb8;
	[tilespmem:$0x2400] =	vst v63  }
0x39: {  	_ =	swait.ge @!p0 [sflag:s17], $0x80  }
0x3a: {  	s23 =	simm.s32 @!p0 $0x2180;
	[sflag:s17] =	ssyncset.done @!p0 $0x0  }
0x3b: {  	[sflag:s17] =	ssyncadd.s32 @!p0 $0xFFFFFF80  }
0x3c: {  	[spmem:s1] =	stream.indirect.scatter.add.f32 @!p0 [tilespmem:s23], [sflag:$0x2], $0x1, s24, s24, $0xb8;
	[tilespmem:$0x2400] =	vst v63  }
0x3d: {  	_ =	swait.ge @!p0 [sflag:s17], $0x80  }
0x3e: {  	[sflag:s17] =	ssyncset.done @!p0 $0x0  }
0x3f: {  	[sflag:s17] =	ssyncadd.s32 @!p0 $0xFFFFFF80  }
0x40: {  	[bflag:$0x0] =	sbarrier.arrive @!p0 $0xFFFF  }
0x41: {  	[hbm:s18], [sflag:s15] =	dma.local @!p0 [spmem:s11], $0x400  }
0x42: {  	_ =	swait.ge @!p0 [sflag:s17], $0x400  }
0x43: {  	[sflag:s17] =	ssyncset.done @!p0 $0x0  }
0x44: {  	[sflag:s17] =	ssyncadd.s32 @!p0 $0xFFFFFC00  }
0x45: {  	[tilespmem:s3], [sflag:$0x2] =	stream.linear.gather [hbm4b:s4+s3], $0x100, $0x38;
	[tilespmem:$0x2400] =	vst v63  }
0x46: {  	_ =	swait.ge [sflag:s5], $0x100  }
0x47: {  	[sflag:s5] =	ssyncset.done $0x0  }
0x48: {  	[sflag:s5] =	ssyncadd.s32 $0xFFFFFF00  }
0x49: {  	[tilespmem:s7], [sflag:$0x1] =	stream.indirect.gather [hbm4b:s2+s6], $0x20, s3, s6, $0xb8;
	[tilespmem:$0x2400] =	vst v63  }
0x4a: {  	_ =	swait.ge [sflag:s8], $0x1000  }
0x4b: {  	[sflag:s8] =	ssyncset.done $0x0  }
0x4c: {  	[sflag:s8] =	ssyncadd.s32 $0xFFFFF000  }
0x4d: {  	[tilespmem:s9], [sflag:$0x1] =	stream.indirect.gather [hbm4b:s2+s6], $0x20, s6, s6, $0xb8;
	[tilespmem:$0x2400] =	vst v63  }
0x4e: {  	_ =	swait.ge [sflag:s8], $0x1000  }
0x4f: {  	[sflag:s8] =	ssyncset.done $0x0  }
0x50: {  	[sflag:s8] =	ssyncadd.s32 $0xFFFFF000  }
0x51: {  	[hbm4b:s10+s3] =	stream.linear.scatter [tilespmem:s7], [sflag:$0x2], $0x2000, $0x38;
	[tilespmem:$0x2400] =	vst v63  }
0x52: {  	_ =	swait.ge [sflag:s5], $0x2000  }
0x53: {  	[sflag:s5] =	ssyncset.done $0x0  }
0x54: {  	[sflag:s5] =	ssyncadd.s32 $0xFFFFE000  }
0x55: {  	[tilespmem:$0x21F0] =	vst v0  }
0x56: {  	[tilespmem:$0x21E0] =	vst v0  }
0x57: {  	[tilespmem:$0x21D0] =	vst v0  }
0x58: {  	[tilespmem:$0x21C0] =	vst v0  }
0x59: {  	[tilespmem:$0x21B0] =	vst v0  }
0x5a: {  	[tilespmem:$0x21A0] =	vst v0  }
0x5b: {  	[tilespmem:$0x2190] =	vst v0  }
0x5c: {  	[tilespmem:$0x2180] =	vst v0  }
0x5d: {  	[tilespmem:$0x2170] =	vst v0  }
0x5e: {  	[tilespmem:$0x2160] =	vst v0  }
0x5f: {  	[tilespmem:$0x2150] =	vst v0  }
0x60: {  	[tilespmem:$0x2140] =	vst v0  }
0x61: {  	[tilespmem:$0x2130] =	vst v0  }
0x62: {  	[tilespmem:$0x2120] =	vst v0  }
0x63: {  	[tilespmem:$0x2100] =	vst v0  }
0x64: {  	[tilespmem:$0x2110] =	vst v0  }
0x65: {  	[bflag:$0x0] =	sbarrier.arrive @p0 $0xFFFF  }
0x66: {  	[spmem:s1] =	stream.indirect.scatter.add.f32 @p0 [tilespmem:s14], [sflag:$0x2], $0x1, s13, s12, $0xb8;
	[tilespmem:$0x2400] =	vst v63  }
0x67: {  	_ =	swait.ge @p0 [sflag:s16], $0x80  }
0x68: {  	[sflag:s16] =	ssyncset.done @p0 $0x0  }
0x69: {  	[sflag:s16] =	ssyncadd.s32 @p0 $0xFFFFFF80  }
0x6a: {  	[spmem:s1] =	stream.indirect.scatter.add.f32 @p0 [tilespmem:s19], [sflag:$0x2], $0x1, s12, s12, $0xb8;
	[tilespmem:$0x2400] =	vst v63  }
0x6b: {  	_ =	swait.ge @p0 [sflag:s16], $0x80  }
.Ltmp1:
0x6c: {  	[sflag:s16] =	ssyncset.done @p0 $0x0;
	(pc) =	sbr.rel @p1 .LBB2_1-.Ltmp1, $4  }
0x6d: {  	[sflag:s16] =	ssyncadd.s32 @p0 $0xFFFFFF80  }
0x6e: {  	[bflag:$0x0] =	sbarrier.arrive @p0 $0xFFFF  }
0x6f: {  	[spmem:s11], [sflag:s15] =	dma.local @!p0 [hbm:s20], $0x400  }
0x70: {  	_ =	swait.ge @!p0 [sflag:s17], $0x400  }
.LBB2_2:
0x71: {  	[sflag:s17] =	ssyncset.done @!p0 $0x0  }
0x72: {  	[sflag:s17] =	ssyncadd.s32 @!p0 $0xFFFFFC00  }
0x73: {  	s2 =	simm.s32 @!p0 $0x0;
	s3 =	simm.s32 @!p0 $0x80;
	[bflag:$0x0] =	sbarrier.arrive @!p0 $0xFFFF  }
0x74: {  	[spmem:s1] =	stream.indirect.scatter.add.f32 @!p0 [tilespmem:s21], [sflag:$0x2], $0x1, s2, s3, $0xb8;
	[tilespmem:$0x2400] =	vst v63  }
0x75: {  	_ =	swait.ge @!p0 [sflag:s17], $0x80  }
0x76: {  	[sflag:s17] =	ssyncset.done @!p0 $0x0  }
0x77: {  	s2 =	simm.s32 @!p0 $0x2180;
	[sflag:s17] =	ssyncadd.s32 @!p0 $0xFFFFFF80  }
0x78: {  	[spmem:s1] =	stream.indirect.scatter.add.f32 @!p0 [tilespmem:s2], [sflag:$0x2], $0x1, s3, s3, $0xb8;
	[tilespmem:$0x2400] =	vst v63  }
0x79: {  	_ =	swait.ge @!p0 [sflag:s17], $0x80  }
0x7a: {  	[sflag:s17] =	ssyncset.done @!p0 $0x0  }
0x7b: {  	[sflag:s17] =	ssyncadd.s32 @!p0 $0xFFFFFF80  }
0x7c: {  	[bflag:$0x0] =	sbarrier.arrive @!p0 $0xFFFF  }
0x7d: {  	[hbm:s18], [sflag:s15] =	dma.local @!p0 [spmem:s11], $0x400  }
0x7e: {  	_ =	swait.ge @!p0 [sflag:s17], $0x400  }
0x7f: {  	[sflag:s17] =	ssyncset.done @!p0 $0x0  }
0x80: {  	[sflag:s17] =	ssyncadd.s32 @!p0 $0xFFFFFC00  }
0x81: {  	_ =	sfence.sel $0x180000  }
0x82: {  	[bflag:$0x0] =	sbarrier.arrive $0xFFFF  }
0x83: {  	_ =	strace $0x90000047  }
0x84: {  	s0 =	sadd.s32 @!p0 $0x100000, s0;
	[bflag:$0x2] =	sbarrier.arrive $0xFFFF  }
0x85: {  	[sflag:s0] =	ssyncadd.tile.s32 @!p0 $0x1;
	_ =	shalt  }
.Lfunc_end2:
_tile_overlayer_lowered:
.L_overlay_start_2:
0x86: {  	(tag) =	ssettag $0x2  }
0x87: {  	s0 =	rddreg [dreg:$0x0];
	s2 =	stileid.u32  }
0x88: {  	s1 =	rddreg [dreg:$0x1];
	p0 =	sne.s32 s2, $0x0  }
0x89: {  	s3 =	rddreg [dreg:$0x2];
	[bflag:$0x3] =	sbarrier.arrive $0xFFFF;
	s2 =	simm.s32 @!p0 $0x1C02  }
0x8a: {  	[timem:s3], [sflag:s2] =	dma.local @!p0 [hbm:s0], s1  }
0x8b: {  	s0 =	simm.s32 @!p0 $0x2  }
0x8c: {  	_ =	swait.ge @!p0 [sflag:s0], s1  }
0x8d: {  	s1 =	ssub.s32 @!p0 $0x0, s1;
	[sflag:s0] =	ssyncset.done @!p0 $0x0  }
0x8e: {  	[sflag:s0] =	ssyncadd.s32 @!p0 s1  }
0x8f: {  	[bflag:$0x3] =	sbarrier.arrive $0xFFFF  }
0x90: {  	_ =	shalt  }

</sc_bundles>
